<compile_context>
chip_gen: v7x
topology: tpu7x:2x2x1
jax: 0.10.2.dev20260603
libtpu: 0.0.44.dev20260713+nightly
codegen_flags: <defaults>
</compile_context>

<pallas_src>
import functools

import jax
import jax.numpy as jnp
from jax import lax
from jax.experimental import pallas as pl
from jax.experimental.pallas import tpu as pltpu
from jax.experimental.pallas import tpu_sc as plsc

_NUM_EMBEDDINGS = 1000000
_DIM = 32
_BATCH = 16384
_PACK = 128 // _DIM

_info = plsc.get_sparse_core_info()
_NC, _NS, _L = _info.num_cores, _info.num_subcores, _info.num_lanes
_NW = _NC * _NS
_BPW = _BATCH // _NW
_C = 128
_NCH = _BPW // _C

_mesh = plsc.VectorSubcoreMesh(core_axis_name="c", subcore_axis_name="s")


@functools.partial(
    pl.kernel,
    mesh=_mesh,
    out_type=jax.ShapeDtypeStruct((_BATCH, _DIM), jnp.float32),
    scratch_types=[
        pltpu.VMEM((_BPW,), jnp.int32),
        pltpu.VMEM((_BPW,), jnp.int32),
        pltpu.VMEM((_BPW // 2, 128), jnp.float32),
        pltpu.VMEM((_BPW, _DIM), jnp.float32),
        pltpu.SemaphoreType.DMA,
    ],
    compiler_params=pltpu.CompilerParams(needs_layout_passes=False),
)
def _gather_kernel(idx_hbm, rtab_hbm, out_hbm, idx_v, gidx_v, big_v,
                   out_v, sem):
    wid = lax.axis_index("s") * _NC + lax.axis_index("c")
    base = wid * _BPW
    pltpu.sync_copy(idx_hbm.at[pl.ds(base, _BPW)], idx_v)

    for k in range(_BPW // _L):
        v = idx_v[pl.ds(k * _L, _L)]
        gidx_v[pl.ds(k * _L, _L)] = lax.shift_right_logical(v, 2)

    lane = lax.iota(jnp.int32, _L)
    half = _BPW // 2

    for h in range(2):
        copies = []
        for ch in range(half // _C):
            copies.append(
                pltpu.async_copy(
                    rtab_hbm.at[gidx_v.at[pl.ds(h * half + ch * _C, _C)]],
                    big_v.at[pl.ds(ch * _C, _C)],
                    sem,
                )
            )
        for cp in copies:
            cp.wait()

        def body(g, carry):
            rowid = lane + g * _L
            cbase = lax.shift_left(
                jnp.bitwise_and(idx_v[pl.ds(h * half + g * _L, _L)],
                                _PACK - 1), 5)
            for j in range(_DIM):
                vals = plsc.load_gather(big_v, [rowid, cbase + j])
                plsc.store_scatter(out_v, [rowid + h * half, lane * 0 + j],
                                   vals)
            return carry

        lax.fori_loop(0, half // _L, body, 0)

    pltpu.sync_copy(out_v, out_hbm.at[pl.ds(base, _BPW)])


def kernel(input_index, embeds):
    idx = input_index.astype(jnp.int32)
    rtab = embeds.reshape(_NUM_EMBEDDINGS // _PACK, _DIM * _PACK)
    return _gather_kernel(idx, rtab)

# --- scband reference (transcript-rebuilt; emitter-appended) ---
"""Pipeline reference for scband-euclidean-embeddings-9826885173443 (READ-ONLY COPY).

The authoritative reference and input builder live on the scoring server;
editing this copy changes nothing except your own understanding.
"""

import jax, jax.numpy as jnp
import numpy as np

NUM_EMBEDDINGS = 1000000
EMBEDDING_DIM = 32
BATCH = 16384


def setup_inputs(seed: int = 0) -> dict:
    key = jax.random.key(seed)
    k_idx, k_tab = jax.random.split(key)
    input_index = jax.random.randint(k_idx, (BATCH,), 0, NUM_EMBEDDINGS, dtype=jnp.int64 if jax.config.jax_enable_x64 else jnp.int32)
    # learned parameter: embedding table (manifold is Euclidean -> plain table)
    embeds = jax.random.uniform(k_tab, (NUM_EMBEDDINGS, EMBEDDING_DIM), dtype=jnp.float32, minval=-1e-3, maxval=1e-3)
    return {"input_index": input_index, "embeds": embeds}


def reference(input_index, embeds):
    # Faithful translation: self.embeds[input_index]
    return jnp.take(embeds, input_index, axis=0)

if __name__ == "__main__":
    import jax
    _d = setup_inputs()
    print(jax.jit(kernel)(*tuple(_d.values())))

</pallas_src>

<mosaic_0001>
#map = affine_map<(d0, d1) -> (0)>
#map1 = affine_map<(d0, d1) -> (0, 0)>
module attributes {stable_mosaic.version = 14 : i64} {
  func.func @_gather_kernel(%arg0: i32, %arg1: i32, %arg2: memref<16384xi32, #tpu.memory_space<hbm>>, %arg3: memref<250000x128xf32, #tpu.memory_space<hbm>>, %arg4: memref<16384x32xf32, #tpu.memory_space<hbm>>, %arg5: memref<512xi32, #tpu.memory_space<vmem>>, %arg6: memref<512xi32, #tpu.memory_space<vmem>>, %arg7: memref<256x128xf32, #tpu.memory_space<vmem>>, %arg8: memref<512x32xf32, #tpu.memory_space<vmem>>, %arg9: memref<!tpu.dma_semaphore, #tpu.memory_space<semaphore_mem>>) attributes {dimension_semantics = [#tpu.dimension_semantics<core_parallel>, #tpu.dimension_semantics<subcore_parallel>], iteration_bounds = array<i64: 2, 16>, scalar_prefetch = 0 : i64, scratch_operands = 5 : i64, tpu.core_type = #tpu.core_type<sc_vector_subcore>, window_params = [{transform_indices = #map}, {transform_indices = #map1}, {transform_indices = #map1}]} {
    %mul3A = arith.constant 2 : i32
    %mul3A_0 = arith.muli %arg1, %mul3A : i32
    %add3A = arith.addi %mul3A_0, %arg0 : i32
    %mul3A_1 = arith.constant 512 : i32
    %mul3A_2 = arith.muli %add3A, %mul3A_1 : i32
    "tpu.region"() ({
      %run_scoped3A = tpu.sem_alloc : memref<!tpu.dma_semaphore, #tpu.memory_space<semaphore_mem>>
      %dma_start3A_297 = tpu.memref_slice %arg2[%mul3A_2] : memref<16384xi32, #tpu.memory_space<hbm>> -> memref<512xi32, #tpu.memory_space<hbm>>
      %dma_start3A_298 = tpu.memref_slice %arg2[%mul3A_2] : memref<16384xi32, #tpu.memory_space<hbm>> -> memref<512xi32, #tpu.memory_space<hbm>>
      tpu.enqueue_dma source(%dma_start3A_298 : memref<512xi32, #tpu.memory_space<hbm>>) target(%arg5 : memref<512xi32, #tpu.memory_space<vmem>>) target_semaphore(%run_scoped3A : memref<!tpu.dma_semaphore, #tpu.memory_space<semaphore_mem>>)
      %dma_wait3A_299 = tpu.memref_slice %arg2[%mul3A_2] : memref<16384xi32, #tpu.memory_space<hbm>> -> memref<512xi32, #tpu.memory_space<hbm>>
      %dma_wait3A_300 = tpu.memref_slice %arg2[%mul3A_2] : memref<16384xi32, #tpu.memory_space<hbm>> -> memref<512xi32, #tpu.memory_space<hbm>>
      tpu.wait_dma2 semaphore(%run_scoped3A : memref<!tpu.dma_semaphore, #tpu.memory_space<semaphore_mem>>) src(%dma_wait3A_300 : memref<512xi32, #tpu.memory_space<hbm>>) dst(%arg5 : memref<512xi32, #tpu.memory_space<vmem>>)
      tpu.yield
    }) : () -> ()
    %get3A = arith.constant 0 : index
    %get3A_3 = tpu.vector_load %arg5[%get3A] {strides = array<i32>} : memref<512xi32, #tpu.memory_space<vmem>>, vector<16xi32>,
    %shift_right_logical3A = arith.constant 2 : i32
    %shift_right_logical3A_4 = vector.broadcast %shift_right_logical3A : i32 to vector<16xi32>
    %shift_right_logical3A_5 = arith.shrui %get3A_3, %shift_right_logical3A_4 : vector<16xi32>
    %swap3A = arith.constant 0 : index
    %swap3A_6 = tpu.vector_load %arg6[%swap3A] {strides = array<i32>} : memref<512xi32, #tpu.memory_space<vmem>>, vector<16xi32>,
    tpu.vector_store %arg6[%swap3A], %shift_right_logical3A_5 {strides = array<i32>} : memref<512xi32, #tpu.memory_space<vmem>>, vector<16xi32>,
    %get3A_7 = arith.constant 16 : index
    %get3A_8 = tpu.vector_load %arg5[%get3A_7] {strides = array<i32>} : memref<512xi32, #tpu.memory_space<vmem>>, vector<16xi32>,
    %shift_right_logical3A_9 = arith.constant 2 : i32
    %shift_right_logical3A_10 = vector.broadcast %shift_right_logical3A_9 : i32 to vector<16xi32>
    %shift_right_logical3A_11 = arith.shrui %get3A_8, %shift_right_logical3A_10 : vector<16xi32>
    %swap3A_12 = arith.constant 16 : index
    %swap3A_13 = tpu.vector_load %arg6[%swap3A_12] {strides = array<i32>} : memref<512xi32, #tpu.memory_space<vmem>>, vector<16xi32>,
    tpu.vector_store %arg6[%swap3A_12], %shift_right_logical3A_11 {strides = array<i32>} : memref<512xi32, #tpu.memory_space<vmem>>, vector<16xi32>,
    %get3A_14 = arith.constant 32 : index
    %get3A_15 = tpu.vector_load %arg5[%get3A_14] {strides = array<i32>} : memref<512xi32, #tpu.memory_space<vmem>>, vector<16xi32>,
    %shift_right_logical3A_16 = arith.constant 2 : i32
    %shift_right_logical3A_17 = vector.broadcast %shift_right_logical3A_16 : i32 to vector<16xi32>
    %shift_right_logical3A_18 = arith.shrui %get3A_15, %shift_right_logical3A_17 : vector<16xi32>
    %swap3A_19 = arith.constant 32 : index
    %swap3A_20 = tpu.vector_load %arg6[%swap3A_19] {strides = array<i32>} : memref<512xi32, #tpu.memory_space<vmem>>, vector<16xi32>,
    tpu.vector_store %arg6[%swap3A_19], %shift_right_logical3A_18 {strides = array<i32>} : memref<512xi32, #tpu.memory_space<vmem>>, vector<16xi32>,
    %get3A_21 = arith.constant 48 : index
    %get3A_22 = tpu.vector_load %arg5[%get3A_21] {strides = array<i32>} : memref<512xi32, #tpu.memory_space<vmem>>, vector<16xi32>,
    %shift_right_logical3A_23 = arith.constant 2 : i32
    %shift_right_logical3A_24 = vector.broadcast %shift_right_logical3A_23 : i32 to vector<16xi32>
    %shift_right_logical3A_25 = arith.shrui %get3A_22, %shift_right_logical3A_24 : vector<16xi32>
    %swap3A_26 = arith.constant 48 : index
    %swap3A_27 = tpu.vector_load %arg6[%swap3A_26] {strides = array<i32>} : memref<512xi32, #tpu.memory_space<vmem>>, vector<16xi32>,
    tpu.vector_store %arg6[%swap3A_26], %shift_right_logical3A_25 {strides = array<i32>} : memref<512xi32, #tpu.memory_space<vmem>>, vector<16xi32>,
    %get3A_28 = arith.constant 64 : index
    %get3A_29 = tpu.vector_load %arg5[%get3A_28] {strides = array<i32>} : memref<512xi32, #tpu.memory_space<vmem>>, vector<16xi32>,
    %shift_right_logical3A_30 = arith.constant 2 : i32
    %shift_right_logical3A_31 = vector.broadcast %shift_right_logical3A_30 : i32 to vector<16xi32>
    %shift_right_logical3A_32 = arith.shrui %get3A_29, %shift_right_logical3A_31 : vector<16xi32>
    %swap3A_33 = arith.constant 64 : index
    %swap3A_34 = tpu.vector_load %arg6[%swap3A_33] {strides = array<i32>} : memref<512xi32, #tpu.memory_space<vmem>>, vector<16xi32>,
    tpu.vector_store %arg6[%swap3A_33], %shift_right_logical3A_32 {strides = array<i32>} : memref<512xi32, #tpu.memory_space<vmem>>, vector<16xi32>,
    %get3A_35 = arith.constant 80 : index
    %get3A_36 = tpu.vector_load %arg5[%get3A_35] {strides = array<i32>} : memref<512xi32, #tpu.memory_space<vmem>>, vector<16xi32>,
    %shift_right_logical3A_37 = arith.constant 2 : i32
    %shift_right_logical3A_38 = vector.broadcast %shift_right_logical3A_37 : i32 to vector<16xi32>
    %shift_right_logical3A_39 = arith.shrui %get3A_36, %shift_right_logical3A_38 : vector<16xi32>
    %swap3A_40 = arith.constant 80 : index
    %swap3A_41 = tpu.vector_load %arg6[%swap3A_40] {strides = array<i32>} : memref<512xi32, #tpu.memory_space<vmem>>, vector<16xi32>,
    tpu.vector_store %arg6[%swap3A_40], %shift_right_logical3A_39 {strides = array<i32>} : memref<512xi32, #tpu.memory_space<vmem>>, vector<16xi32>,
    %get3A_42 = arith.constant 96 : index
    %get3A_43 = tpu.vector_load %arg5[%get3A_42] {strides = array<i32>} : memref<512xi32, #tpu.memory_space<vmem>>, vector<16xi32>,
    %shift_right_logical3A_44 = arith.constant 2 : i32
    %shift_right_logical3A_45 = vector.broadcast %shift_right_logical3A_44 : i32 to vector<16xi32>
    %shift_right_logical3A_46 = arith.shrui %get3A_43, %shift_right_logical3A_45 : vector<16xi32>
    %swap3A_47 = arith.constant 96 : index
    %swap3A_48 = tpu.vector_load %arg6[%swap3A_47] {strides = array<i32>} : memref<512xi32, #tpu.memory_space<vmem>>, vector<16xi32>,
    tpu.vector_store %arg6[%swap3A_47], %shift_right_logical3A_46 {strides = array<i32>} : memref<512xi32, #tpu.memory_space<vmem>>, vector<16xi32>,
    %get3A_49 = arith.constant 112 : index
    %get3A_50 = tpu.vector_load %arg5[%get3A_49] {strides = array<i32>} : memref<512xi32, #tpu.memory_space<vmem>>, vector<16xi32>,
    %shift_right_logical3A_51 = arith.constant 2 : i32
    %shift_right_logical3A_52 = vector.broadcast %shift_right_logical3A_51 : i32 to vector<16xi32>
    %shift_right_logical3A_53 = arith.shrui %get3A_50, %shift_right_logical3A_52 : vector<16xi32>
    %swap3A_54 = arith.constant 112 : index
    %swap3A_55 = tpu.vector_load %arg6[%swap3A_54] {strides = array<i32>} : memref<512xi32, #tpu.memory_space<vmem>>, vector<16xi32>,
    tpu.vector_store %arg6[%swap3A_54], %shift_right_logical3A_53 {strides = array<i32>} : memref<512xi32, #tpu.memory_space<vmem>>, vector<16xi32>,
    %get3A_56 = arith.constant 128 : index
    %get3A_57 = tpu.vector_load %arg5[%get3A_56] {strides = array<i32>} : memref<512xi32, #tpu.memory_space<vmem>>, vector<16xi32>,
    %shift_right_logical3A_58 = arith.constant 2 : i32
    %shift_right_logical3A_59 = vector.broadcast %shift_right_logical3A_58 : i32 to vector<16xi32>
    %shift_right_logical3A_60 = arith.shrui %get3A_57, %shift_right_logical3A_59 : vector<16xi32>
    %swap3A_61 = arith.constant 128 : index
    %swap3A_62 = tpu.vector_load %arg6[%swap3A_61] {strides = array<i32>} : memref<512xi32, #tpu.memory_space<vmem>>, vector<16xi32>,
    tpu.vector_store %arg6[%swap3A_61], %shift_right_logical3A_60 {strides = array<i32>} : memref<512xi32, #tpu.memory_space<vmem>>, vector<16xi32>,
    %get3A_63 = arith.constant 144 : index
    %get3A_64 = tpu.vector_load %arg5[%get3A_63] {strides = array<i32>} : memref<512xi32, #tpu.memory_space<vmem>>, vector<16xi32>,
    %shift_right_logical3A_65 = arith.constant 2 : i32
    %shift_right_logical3A_66 = vector.broadcast %shift_right_logical3A_65 : i32 to vector<16xi32>
    %shift_right_logical3A_67 = arith.shrui %get3A_64, %shift_right_logical3A_66 : vector<16xi32>
    %swap3A_68 = arith.constant 144 : index
    %swap3A_69 = tpu.vector_load %arg6[%swap3A_68] {strides = array<i32>} : memref<512xi32, #tpu.memory_space<vmem>>, vector<16xi32>,
    tpu.vector_store %arg6[%swap3A_68], %shift_right_logical3A_67 {strides = array<i32>} : memref<512xi32, #tpu.memory_space<vmem>>, vector<16xi32>,
    %get3A_70 = arith.constant 160 : index
    %get3A_71 = tpu.vector_load %arg5[%get3A_70] {strides = array<i32>} : memref<512xi32, #tpu.memory_space<vmem>>, vector<16xi32>,
    %shift_right_logical3A_72 = arith.constant 2 : i32
    %shift_right_logical3A_73 = vector.broadcast %shift_right_logical3A_72 : i32 to vector<16xi32>
    %shift_right_logical3A_74 = arith.shrui %get3A_71, %shift_right_logical3A_73 : vector<16xi32>
    %swap3A_75 = arith.constant 160 : index
    %swap3A_76 = tpu.vector_load %arg6[%swap3A_75] {strides = array<i32>} : memref<512xi32, #tpu.memory_space<vmem>>, vector<16xi32>,
    tpu.vector_store %arg6[%swap3A_75], %shift_right_logical3A_74 {strides = array<i32>} : memref<512xi32, #tpu.memory_space<vmem>>, vector<16xi32>,
    %get3A_77 = arith.constant 176 : index
    %get3A_78 = tpu.vector_load %arg5[%get3A_77] {strides = array<i32>} : memref<512xi32, #tpu.memory_space<vmem>>, vector<16xi32>,
    %shift_right_logical3A_79 = arith.constant 2 : i32
    %shift_right_logical3A_80 = vector.broadcast %shift_right_logical3A_79 : i32 to vector<16xi32>
    %shift_right_logical3A_81 = arith.shrui %get3A_78, %shift_right_logical3A_80 : vector<16xi32>
    %swap3A_82 = arith.constant 176 : index
    %swap3A_83 = tpu.vector_load %arg6[%swap3A_82] {strides = array<i32>} : memref<512xi32, #tpu.memory_space<vmem>>, vector<16xi32>,
    tpu.vector_store %arg6[%swap3A_82], %shift_right_logical3A_81 {strides = array<i32>} : memref<512xi32, #tpu.memory_space<vmem>>, vector<16xi32>,
    %get3A_84 = arith.constant 192 : index
    %get3A_85 = tpu.vector_load %arg5[%get3A_84] {strides = array<i32>} : memref<512xi32, #tpu.memory_space<vmem>>, vector<16xi32>,
    %shift_right_logical3A_86 = arith.constant 2 : i32
    %shift_right_logical3A_87 = vector.broadcast %shift_right_logical3A_86 : i32 to vector<16xi32>
    %shift_right_logical3A_88 = arith.shrui %get3A_85, %shift_right_logical3A_87 : vector<16xi32>
    %swap3A_89 = arith.constant 192 : index
    %swap3A_90 = tpu.vector_load %arg6[%swap3A_89] {strides = array<i32>} : memref<512xi32, #tpu.memory_space<vmem>>, vector<16xi32>,
    tpu.vector_store %arg6[%swap3A_89], %shift_right_logical3A_88 {strides = array<i32>} : memref<512xi32, #tpu.memory_space<vmem>>, vector<16xi32>,
    %get3A_91 = arith.constant 208 : index
    %get3A_92 = tpu.vector_load %arg5[%get3A_91] {strides = array<i32>} : memref<512xi32, #tpu.memory_space<vmem>>, vector<16xi32>,
    %shift_right_logical3A_93 = arith.constant 2 : i32
    %shift_right_logical3A_94 = vector.broadcast %shift_right_logical3A_93 : i32 to vector<16xi32>
    %shift_right_logical3A_95 = arith.shrui %get3A_92, %shift_right_logical3A_94 : vector<16xi32>
    %swap3A_96 = arith.constant 208 : index
    %swap3A_97 = tpu.vector_load %arg6[%swap3A_96] {strides = array<i32>} : memref<512xi32, #tpu.memory_space<vmem>>, vector<16xi32>,
    tpu.vector_store %arg6[%swap3A_96], %shift_right_logical3A_95 {strides = array<i32>} : memref<512xi32, #tpu.memory_space<vmem>>, vector<16xi32>,
    %get3A_98 = arith.constant 224 : index
    %get3A_99 = tpu.vector_load %arg5[%get3A_98] {strides = array<i32>} : memref<512xi32, #tpu.memory_space<vmem>>, vector<16xi32>,
    %shift_right_logical3A_100 = arith.constant 2 : i32
    %shift_right_logical3A_101 = vector.broadcast %shift_right_logical3A_100 : i32 to vector<16xi32>
    %shift_right_logical3A_102 = arith.shrui %get3A_99, %shift_right_logical3A_101 : vector<16xi32>
    %swap3A_103 = arith.constant 224 : index
    %swap3A_104 = tpu.vector_load %arg6[%swap3A_103] {strides = array<i32>} : memref<512xi32, #tpu.memory_space<vmem>>, vector<16xi32>,
    tpu.vector_store %arg6[%swap3A_103], %shift_right_logical3A_102 {strides = array<i32>} : memref<512xi32, #tpu.memory_space<vmem>>, vector<16xi32>,
    %get3A_105 = arith.constant 240 : index
    %get3A_106 = tpu.vector_load %arg5[%get3A_105] {strides = array<i32>} : memref<512xi32, #tpu.memory_space<vmem>>, vector<16xi32>,
    %shift_right_logical3A_107 = arith.constant 2 : i32
    %shift_right_logical3A_108 = vector.broadcast %shift_right_logical3A_107 : i32 to vector<16xi32>
    %shift_right_logical3A_109 = arith.shrui %get3A_106, %shift_right_logical3A_108 : vector<16xi32>
    %swap3A_110 = arith.constant 240 : index
    %swap3A_111 = tpu.vector_load %arg6[%swap3A_110] {strides = array<i32>} : memref<512xi32, #tpu.memory_space<vmem>>, vector<16xi32>,
    tpu.vector_store %arg6[%swap3A_110], %shift_right_logical3A_109 {strides = array<i32>} : memref<512xi32, #tpu.memory_space<vmem>>, vector<16xi32>,
    %get3A_112 = arith.constant 256 : index
    %get3A_113 = tpu.vector_load %arg5[%get3A_112] {strides = array<i32>} : memref<512xi32, #tpu.memory_space<vmem>>, vector<16xi32>,
    %shift_right_logical3A_114 = arith.constant 2 : i32
    %shift_right_logical3A_115 = vector.broadcast %shift_right_logical3A_114 : i32 to vector<16xi32>
    %shift_right_logical3A_116 = arith.shrui %get3A_113, %shift_right_logical3A_115 : vector<16xi32>
    %swap3A_117 = arith.constant 256 : index
    %swap3A_118 = tpu.vector_load %arg6[%swap3A_117] {strides = array<i32>} : memref<512xi32, #tpu.memory_space<vmem>>, vector<16xi32>,
    tpu.vector_store %arg6[%swap3A_117], %shift_right_logical3A_116 {strides = array<i32>} : memref<512xi32, #tpu.memory_space<vmem>>, vector<16xi32>,
    %get3A_119 = arith.constant 272 : index
    %get3A_120 = tpu.vector_load %arg5[%get3A_119] {strides = array<i32>} : memref<512xi32, #tpu.memory_space<vmem>>, vector<16xi32>,
    %shift_right_logical3A_121 = arith.constant 2 : i32
    %shift_right_logical3A_122 = vector.broadcast %shift_right_logical3A_121 : i32 to vector<16xi32>
    %shift_right_logical3A_123 = arith.shrui %get3A_120, %shift_right_logical3A_122 : vector<16xi32>
    %swap3A_124 = arith.constant 272 : index
    %swap3A_125 = tpu.vector_load %arg6[%swap3A_124] {strides = array<i32>} : memref<512xi32, #tpu.memory_space<vmem>>, vector<16xi32>,
    tpu.vector_store %arg6[%swap3A_124], %shift_right_logical3A_123 {strides = array<i32>} : memref<512xi32, #tpu.memory_space<vmem>>, vector<16xi32>,
    %get3A_126 = arith.constant 288 : index
    %get3A_127 = tpu.vector_load %arg5[%get3A_126] {strides = array<i32>} : memref<512xi32, #tpu.memory_space<vmem>>, vector<16xi32>,
    %shift_right_logical3A_128 = arith.constant 2 : i32
    %shift_right_logical3A_129 = vector.broadcast %shift_right_logical3A_128 : i32 to vector<16xi32>
    %shift_right_logical3A_130 = arith.shrui %get3A_127, %shift_right_logical3A_129 : vector<16xi32>
    %swap3A_131 = arith.constant 288 : index
    %swap3A_132 = tpu.vector_load %arg6[%swap3A_131] {strides = array<i32>} : memref<512xi32, #tpu.memory_space<vmem>>, vector<16xi32>,
    tpu.vector_store %arg6[%swap3A_131], %shift_right_logical3A_130 {strides = array<i32>} : memref<512xi32, #tpu.memory_space<vmem>>, vector<16xi32>,
    %get3A_133 = arith.constant 304 : index
    %get3A_134 = tpu.vector_load %arg5[%get3A_133] {strides = array<i32>} : memref<512xi32, #tpu.memory_space<vmem>>, vector<16xi32>,
    %shift_right_logical3A_135 = arith.constant 2 : i32
    %shift_right_logical3A_136 = vector.broadcast %shift_right_logical3A_135 : i32 to vector<16xi32>
    %shift_right_logical3A_137 = arith.shrui %get3A_134, %shift_right_logical3A_136 : vector<16xi32>
    %swap3A_138 = arith.constant 304 : index
    %swap3A_139 = tpu.vector_load %arg6[%swap3A_138] {strides = array<i32>} : memref<512xi32, #tpu.memory_space<vmem>>, vector<16xi32>,
    tpu.vector_store %arg6[%swap3A_138], %shift_right_logical3A_137 {strides = array<i32>} : memref<512xi32, #tpu.memory_space<vmem>>, vector<16xi32>,
    %get3A_140 = arith.constant 320 : index
    %get3A_141 = tpu.vector_load %arg5[%get3A_140] {strides = array<i32>} : memref<512xi32, #tpu.memory_space<vmem>>, vector<16xi32>,
    %shift_right_logical3A_142 = arith.constant 2 : i32
    %shift_right_logical3A_143 = vector.broadcast %shift_right_logical3A_142 : i32 to vector<16xi32>
    %shift_right_logical3A_144 = arith.shrui %get3A_141, %shift_right_logical3A_143 : vector<16xi32>
    %swap3A_145 = arith.constant 320 : index
    %swap3A_146 = tpu.vector_load %arg6[%swap3A_145] {strides = array<i32>} : memref<512xi32, #tpu.memory_space<vmem>>, vector<16xi32>,
    tpu.vector_store %arg6[%swap3A_145], %shift_right_logical3A_144 {strides = array<i32>} : memref<512xi32, #tpu.memory_space<vmem>>, vector<16xi32>,
    %get3A_147 = arith.constant 336 : index
    %get3A_148 = tpu.vector_load %arg5[%get3A_147] {strides = array<i32>} : memref<512xi32, #tpu.memory_space<vmem>>, vector<16xi32>,
    %shift_right_logical3A_149 = arith.constant 2 : i32
    %shift_right_logical3A_150 = vector.broadcast %shift_right_logical3A_149 : i32 to vector<16xi32>
    %shift_right_logical3A_151 = arith.shrui %get3A_148, %shift_right_logical3A_150 : vector<16xi32>
    %swap3A_152 = arith.constant 336 : index
    %swap3A_153 = tpu.vector_load %arg6[%swap3A_152] {strides = array<i32>} : memref<512xi32, #tpu.memory_space<vmem>>, vector<16xi32>,
    tpu.vector_store %arg6[%swap3A_152], %shift_right_logical3A_151 {strides = array<i32>} : memref<512xi32, #tpu.memory_space<vmem>>, vector<16xi32>,
    %get3A_154 = arith.constant 352 : index
    %get3A_155 = tpu.vector_load %arg5[%get3A_154] {strides = array<i32>} : memref<512xi32, #tpu.memory_space<vmem>>, vector<16xi32>,
    %shift_right_logical3A_156 = arith.constant 2 : i32
    %shift_right_logical3A_157 = vector.broadcast %shift_right_logical3A_156 : i32 to vector<16xi32>
    %shift_right_logical3A_158 = arith.shrui %get3A_155, %shift_right_logical3A_157 : vector<16xi32>
    %swap3A_159 = arith.constant 352 : index
    %swap3A_160 = tpu.vector_load %arg6[%swap3A_159] {strides = array<i32>} : memref<512xi32, #tpu.memory_space<vmem>>, vector<16xi32>,
    tpu.vector_store %arg6[%swap3A_159], %shift_right_logical3A_158 {strides = array<i32>} : memref<512xi32, #tpu.memory_space<vmem>>, vector<16xi32>,
    %get3A_161 = arith.constant 368 : index
    %get3A_162 = tpu.vector_load %arg5[%get3A_161] {strides = array<i32>} : memref<512xi32, #tpu.memory_space<vmem>>, vector<16xi32>,
    %shift_right_logical3A_163 = arith.constant 2 : i32
    %shift_right_logical3A_164 = vector.broadcast %shift_right_logical3A_163 : i32 to vector<16xi32>
    %shift_right_logical3A_165 = arith.shrui %get3A_162, %shift_right_logical3A_164 : vector<16xi32>
    %swap3A_166 = arith.constant 368 : index
    %swap3A_167 = tpu.vector_load %arg6[%swap3A_166] {strides = array<i32>} : memref<512xi32, #tpu.memory_space<vmem>>, vector<16xi32>,
    tpu.vector_store %arg6[%swap3A_166], %shift_right_logical3A_165 {strides = array<i32>} : memref<512xi32, #tpu.memory_space<vmem>>, vector<16xi32>,
    %get3A_168 = arith.constant 384 : index
    %get3A_169 = tpu.vector_load %arg5[%get3A_168] {strides = array<i32>} : memref<512xi32, #tpu.memory_space<vmem>>, vector<16xi32>,
    %shift_right_logical3A_170 = arith.constant 2 : i32
    %shift_right_logical3A_171 = vector.broadcast %shift_right_logical3A_170 : i32 to vector<16xi32>
    %shift_right_logical3A_172 = arith.shrui %get3A_169, %shift_right_logical3A_171 : vector<16xi32>
    %swap3A_173 = arith.constant 384 : index
    %swap3A_174 = tpu.vector_load %arg6[%swap3A_173] {strides = array<i32>} : memref<512xi32, #tpu.memory_space<vmem>>, vector<16xi32>,
    tpu.vector_store %arg6[%swap3A_173], %shift_right_logical3A_172 {strides = array<i32>} : memref<512xi32, #tpu.memory_space<vmem>>, vector<16xi32>,
    %get3A_175 = arith.constant 400 : index
    %get3A_176 = tpu.vector_load %arg5[%get3A_175] {strides = array<i32>} : memref<512xi32, #tpu.memory_space<vmem>>, vector<16xi32>,
    %shift_right_logical3A_177 = arith.constant 2 : i32
    %shift_right_logical3A_178 = vector.broadcast %shift_right_logical3A_177 : i32 to vector<16xi32>
    %shift_right_logical3A_179 = arith.shrui %get3A_176, %shift_right_logical3A_178 : vector<16xi32>
    %swap3A_180 = arith.constant 400 : index
    %swap3A_181 = tpu.vector_load %arg6[%swap3A_180] {strides = array<i32>} : memref<512xi32, #tpu.memory_space<vmem>>, vector<16xi32>,
    tpu.vector_store %arg6[%swap3A_180], %shift_right_logical3A_179 {strides = array<i32>} : memref<512xi32, #tpu.memory_space<vmem>>, vector<16xi32>,
    %get3A_182 = arith.constant 416 : index
    %get3A_183 = tpu.vector_load %arg5[%get3A_182] {strides = array<i32>} : memref<512xi32, #tpu.memory_space<vmem>>, vector<16xi32>,
    %shift_right_logical3A_184 = arith.constant 2 : i32
    %shift_right_logical3A_185 = vector.broadcast %shift_right_logical3A_184 : i32 to vector<16xi32>
    %shift_right_logical3A_186 = arith.shrui %get3A_183, %shift_right_logical3A_185 : vector<16xi32>
    %swap3A_187 = arith.constant 416 : index
    %swap3A_188 = tpu.vector_load %arg6[%swap3A_187] {strides = array<i32>} : memref<512xi32, #tpu.memory_space<vmem>>, vector<16xi32>,
    tpu.vector_store %arg6[%swap3A_187], %shift_right_logical3A_186 {strides = array<i32>} : memref<512xi32, #tpu.memory_space<vmem>>, vector<16xi32>,
    %get3A_189 = arith.constant 432 : index
    %get3A_190 = tpu.vector_load %arg5[%get3A_189] {strides = array<i32>} : memref<512xi32, #tpu.memory_space<vmem>>, vector<16xi32>,
    %shift_right_logical3A_191 = arith.constant 2 : i32
    %shift_right_logical3A_192 = vector.broadcast %shift_right_logical3A_191 : i32 to vector<16xi32>
    %shift_right_logical3A_193 = arith.shrui %get3A_190, %shift_right_logical3A_192 : vector<16xi32>
    %swap3A_194 = arith.constant 432 : index
    %swap3A_195 = tpu.vector_load %arg6[%swap3A_194] {strides = array<i32>} : memref<512xi32, #tpu.memory_space<vmem>>, vector<16xi32>,
    tpu.vector_store %arg6[%swap3A_194], %shift_right_logical3A_193 {strides = array<i32>} : memref<512xi32, #tpu.memory_space<vmem>>, vector<16xi32>,
    %get3A_196 = arith.constant 448 : index
    %get3A_197 = tpu.vector_load %arg5[%get3A_196] {strides = array<i32>} : memref<512xi32, #tpu.memory_space<vmem>>, vector<16xi32>,
    %shift_right_logical3A_198 = arith.constant 2 : i32
    %shift_right_logical3A_199 = vector.broadcast %shift_right_logical3A_198 : i32 to vector<16xi32>
    %shift_right_logical3A_200 = arith.shrui %get3A_197, %shift_right_logical3A_199 : vector<16xi32>
    %swap3A_201 = arith.constant 448 : index
    %swap3A_202 = tpu.vector_load %arg6[%swap3A_201] {strides = array<i32>} : memref<512xi32, #tpu.memory_space<vmem>>, vector<16xi32>,
    tpu.vector_store %arg6[%swap3A_201], %shift_right_logical3A_200 {strides = array<i32>} : memref<512xi32, #tpu.memory_space<vmem>>, vector<16xi32>,
    %get3A_203 = arith.constant 464 : index
    %get3A_204 = tpu.vector_load %arg5[%get3A_203] {strides = array<i32>} : memref<512xi32, #tpu.memory_space<vmem>>, vector<16xi32>,
    %shift_right_logical3A_205 = arith.constant 2 : i32
    %shift_right_logical3A_206 = vector.broadcast %shift_right_logical3A_205 : i32 to vector<16xi32>
    %shift_right_logical3A_207 = arith.shrui %get3A_204, %shift_right_logical3A_206 : vector<16xi32>
    %swap3A_208 = arith.constant 464 : index
    %swap3A_209 = tpu.vector_load %arg6[%swap3A_208] {strides = array<i32>} : memref<512xi32, #tpu.memory_space<vmem>>, vector<16xi32>,
    tpu.vector_store %arg6[%swap3A_208], %shift_right_logical3A_207 {strides = array<i32>} : memref<512xi32, #tpu.memory_space<vmem>>, vector<16xi32>,
    %get3A_210 = arith.constant 480 : index
    %get3A_211 = tpu.vector_load %arg5[%get3A_210] {strides = array<i32>} : memref<512xi32, #tpu.memory_space<vmem>>, vector<16xi32>,
    %shift_right_logical3A_212 = arith.constant 2 : i32
    %shift_right_logical3A_213 = vector.broadcast %shift_right_logical3A_212 : i32 to vector<16xi32>
    %shift_right_logical3A_214 = arith.shrui %get3A_211, %shift_right_logical3A_213 : vector<16xi32>
    %swap3A_215 = arith.constant 480 : index
    %swap3A_216 = tpu.vector_load %arg6[%swap3A_215] {strides = array<i32>} : memref<512xi32, #tpu.memory_space<vmem>>, vector<16xi32>,
    tpu.vector_store %arg6[%swap3A_215], %shift_right_logical3A_214 {strides = array<i32>} : memref<512xi32, #tpu.memory_space<vmem>>, vector<16xi32>,
    %get3A_217 = arith.constant 496 : index
    %get3A_218 = tpu.vector_load %arg5[%get3A_217] {strides = array<i32>} : memref<512xi32, #tpu.memory_space<vmem>>, vector<16xi32>,
    %shift_right_logical3A_219 = arith.constant 2 : i32
    %shift_right_logical3A_220 = vector.broadcast %shift_right_logical3A_219 : i32 to vector<16xi32>
    %shift_right_logical3A_221 = arith.shrui %get3A_218, %shift_right_logical3A_220 : vector<16xi32>
    %swap3A_222 = arith.constant 496 : index
    %swap3A_223 = tpu.vector_load %arg6[%swap3A_222] {strides = array<i32>} : memref<512xi32, #tpu.memory_space<vmem>>, vector<16xi32>,
    tpu.vector_store %arg6[%swap3A_222], %shift_right_logical3A_221 {strides = array<i32>} : memref<512xi32, #tpu.memory_space<vmem>>, vector<16xi32>,
    %iota3A = tpu.iota {dimensions = array<i32: 0>} : vector<16xi32>
    %dma_start3A = arith.constant 0 : i32
    %dma_start3A_224 = arith.constant 0 : i32
    %dma_start3A_225 = tpu.memref_slice %arg7[%dma_start3A, %dma_start3A_224] : memref<256x128xf32, #tpu.memory_space<vmem>> -> memref<128x128xf32, #tpu.memory_space<vmem>>
    %dma_start3A_226 = arith.constant 0 : i32
    %dma_start3A_227 = tpu.memref_slice %arg6[%dma_start3A_226] : memref<512xi32, #tpu.memory_space<vmem>> -> memref<128xi32, #tpu.memory_space<vmem>>
    %dma_start3A_228 = arith.constant 0 : i32
    %dma_start3A_229 = arith.constant 0 : i32
    %dma_start3A_230 = tpu.memref_slice %arg3[%dma_start3A_228, %dma_start3A_229] : memref<250000x128xf32, #tpu.memory_space<hbm>> -> memref<250000x128xf32, #tpu.memory_space<hbm>>
    tpu.enqueue_indirect_dma source(%dma_start3A_230 : memref<250000x128xf32, #tpu.memory_space<hbm>>) target(%dma_start3A_225 : memref<128x128xf32, #tpu.memory_space<vmem>>) offsets(%dma_start3A_227 : memref<128xi32, #tpu.memory_space<vmem>>) semaphore(%arg9 : memref<!tpu.dma_semaphore, #tpu.memory_space<semaphore_mem>>)
    %dma_start3A_231 = arith.constant 128 : i32
    %dma_start3A_232 = arith.constant 0 : i32
    %dma_start3A_233 = tpu.memref_slice %arg7[%dma_start3A_231, %dma_start3A_232] : memref<256x128xf32, #tpu.memory_space<vmem>> -> memref<128x128xf32, #tpu.memory_space<vmem>>
    %dma_start3A_234 = arith.constant 128 : i32
    %dma_start3A_235 = tpu.memref_slice %arg6[%dma_start3A_234] : memref<512xi32, #tpu.memory_space<vmem>> -> memref<128xi32, #tpu.memory_space<vmem>>
    %dma_start3A_236 = arith.constant 0 : i32
    %dma_start3A_237 = arith.constant 0 : i32
    %dma_start3A_238 = tpu.memref_slice %arg3[%dma_start3A_236, %dma_start3A_237] : memref<250000x128xf32, #tpu.memory_space<hbm>> -> memref<250000x128xf32, #tpu.memory_space<hbm>>
    tpu.enqueue_indirect_dma source(%dma_start3A_238 : memref<250000x128xf32, #tpu.memory_space<hbm>>) target(%dma_start3A_233 : memref<128x128xf32, #tpu.memory_space<vmem>>) offsets(%dma_start3A_235 : memref<128xi32, #tpu.memory_space<vmem>>) semaphore(%arg9 : memref<!tpu.dma_semaphore, #tpu.memory_space<semaphore_mem>>)
    %dma_wait3A = arith.constant 0 : i32
    %dma_wait3A_239 = arith.constant 0 : i32
    %dma_wait3A_240 = tpu.memref_slice %arg7[%dma_wait3A, %dma_wait3A_239] : memref<256x128xf32, #tpu.memory_space<vmem>> -> memref<128x128xf32, #tpu.memory_space<vmem>>
    %dma_wait3A_241 = arith.constant 0 : i32
    %dma_wait3A_242 = tpu.memref_slice %arg6[%dma_wait3A_241] : memref<512xi32, #tpu.memory_space<vmem>> -> memref<128xi32, #tpu.memory_space<vmem>>
    %dma_wait3A_243 = arith.constant 0 : i32
    %dma_wait3A_244 = arith.constant 0 : i32
    %dma_wait3A_245 = tpu.memref_slice %arg3[%dma_wait3A_243, %dma_wait3A_244] : memref<250000x128xf32, #tpu.memory_space<hbm>> -> memref<250000x128xf32, #tpu.memory_space<hbm>>
    tpu.wait_indirect_dma semaphore(%arg9 : memref<!tpu.dma_semaphore, #tpu.memory_space<semaphore_mem>>) src(%dma_wait3A_245 : memref<250000x128xf32, #tpu.memory_space<hbm>>) dst(%dma_wait3A_240 : memref<128x128xf32, #tpu.memory_space<vmem>>)
    %dma_wait3A_246 = arith.constant 128 : i32
    %dma_wait3A_247 = arith.constant 0 : i32
    %dma_wait3A_248 = tpu.memref_slice %arg7[%dma_wait3A_246, %dma_wait3A_247] : memref<256x128xf32, #tpu.memory_space<vmem>> -> memref<128x128xf32, #tpu.memory_space<vmem>>
    %dma_wait3A_249 = arith.constant 128 : i32
    %dma_wait3A_250 = tpu.memref_slice %arg6[%dma_wait3A_249] : memref<512xi32, #tpu.memory_space<vmem>> -> memref<128xi32, #tpu.memory_space<vmem>>
    %dma_wait3A_251 = arith.constant 0 : i32
    %dma_wait3A_252 = arith.constant 0 : i32
    %dma_wait3A_253 = tpu.memref_slice %arg3[%dma_wait3A_251, %dma_wait3A_252] : memref<250000x128xf32, #tpu.memory_space<hbm>> -> memref<250000x128xf32, #tpu.memory_space<hbm>>
    tpu.wait_indirect_dma semaphore(%arg9 : memref<!tpu.dma_semaphore, #tpu.memory_space<semaphore_mem>>) src(%dma_wait3A_253 : memref<250000x128xf32, #tpu.memory_space<hbm>>) dst(%dma_wait3A_248 : memref<128x128xf32, #tpu.memory_space<vmem>>)
    %scan3A = arith.constant 0 : i32
    %scan3A_254 = arith.constant 0 : i32
    %scan3A_255 = arith.constant 16 : i32
    %scan3A_256 = arith.addi %scan3A_254, %scan3A_255 : i32
    %scan3A_257 = arith.constant 1 : i32
    scf.for %scan3A_297 = %scan3A_254 to %scan3A_256 step %scan3A_257  : i32 {
      %mul3A_298 = arith.constant 16 : i32
      %mul3A_299 = arith.muli %scan3A_297, %mul3A_298 : i32
      %add3A_300 = vector.broadcast %mul3A_299 : i32 to vector<16xi32>
      %add3A_301 = arith.addi %iota3A, %add3A_300 : vector<16xi32>
      %mul3A_302 = arith.constant 16 : i32
      %mul3A_303 = arith.muli %scan3A_297, %mul3A_302 : i32
      %add3A_304 = arith.constant 0 : i32
      %add3A_305 = arith.addi %add3A_304, %mul3A_303 : i32
      %get3A_306 = arith.index_cast %add3A_305 : i32 to index
      %get3A_307 = tpu.vector_load %arg5[%get3A_306] {strides = array<i32>} : memref<512xi32, #tpu.memory_space<vmem>>, vector<16xi32>,
      %and3A = arith.constant 3 : i32
      %and3A_308 = vector.broadcast %and3A : i32 to vector<16xi32>
      %and3A_309 = arith.andi %get3A_307, %and3A_308 : vector<16xi32>
      %shift_left3A = arith.constant 5 : i32
      %shift_left3A_310 = vector.broadcast %shift_left3A : i32 to vector<16xi32>
      %shift_left3A_311 = arith.shli %and3A_309, %shift_left3A_310 : vector<16xi32>
      %add3A_312 = arith.constant 0 : i32
      %add3A_313 = vector.broadcast %add3A_312 : i32 to vector<16xi32>
      %add3A_314 = arith.addi %shift_left3A_311, %add3A_313 : vector<16xi32>
      %gather3A = tpu.vector_load_idx %arg7[%add3A_301, %add3A_314] : memref<256x128xf32, #tpu.memory_space<vmem>>[vector<16xi32>, vector<16xi32>], vector<16xf32>,
      %add3A_315 = arith.constant 0 : i32
      %add3A_316 = vector.broadcast %add3A_315 : i32 to vector<16xi32>
      %add3A_317 = arith.addi %add3A_301, %add3A_316 : vector<16xi32>
      %mul3A_318 = arith.constant 0 : i32
      %mul3A_319 = vector.broadcast %mul3A_318 : i32 to vector<16xi32>
      %mul3A_320 = arith.muli %iota3A, %mul3A_319 : vector<16xi32>
      %add3A_321 = arith.constant 0 : i32
      %add3A_322 = vector.broadcast %add3A_321 : i32 to vector<16xi32>
      %add3A_323 = arith.addi %mul3A_320, %add3A_322 : vector<16xi32>
      tpu.vector_store_idx %arg8[%add3A_317, %add3A_323], %gather3A : memref<512x32xf32, #tpu.memory_space<vmem>>[vector<16xi32>, vector<16xi32>], vector<16xf32>,
      %add3A_324 = arith.constant 1 : i32
      %add3A_325 = vector.broadcast %add3A_324 : i32 to vector<16xi32>
      %add3A_326 = arith.addi %shift_left3A_311, %add3A_325 : vector<16xi32>
      %gather3A_327 = tpu.vector_load_idx %arg7[%add3A_301, %add3A_326] : memref<256x128xf32, #tpu.memory_space<vmem>>[vector<16xi32>, vector<16xi32>], vector<16xf32>,
      %add3A_328 = arith.constant 0 : i32
      %add3A_329 = vector.broadcast %add3A_328 : i32 to vector<16xi32>
      %add3A_330 = arith.addi %add3A_301, %add3A_329 : vector<16xi32>
      %mul3A_331 = arith.constant 0 : i32
      %mul3A_332 = vector.broadcast %mul3A_331 : i32 to vector<16xi32>
      %mul3A_333 = arith.muli %iota3A, %mul3A_332 : vector<16xi32>
      %add3A_334 = arith.constant 1 : i32
      %add3A_335 = vector.broadcast %add3A_334 : i32 to vector<16xi32>
      %add3A_336 = arith.addi %mul3A_333, %add3A_335 : vector<16xi32>
      tpu.vector_store_idx %arg8[%add3A_330, %add3A_336], %gather3A_327 : memref<512x32xf32, #tpu.memory_space<vmem>>[vector<16xi32>, vector<16xi32>], vector<16xf32>,
      %add3A_337 = arith.constant 2 : i32
      %add3A_338 = vector.broadcast %add3A_337 : i32 to vector<16xi32>
      %add3A_339 = arith.addi %shift_left3A_311, %add3A_338 : vector<16xi32>
      %gather3A_340 = tpu.vector_load_idx %arg7[%add3A_301, %add3A_339] : memref<256x128xf32, #tpu.memory_space<vmem>>[vector<16xi32>, vector<16xi32>], vector<16xf32>,
      %add3A_341 = arith.constant 0 : i32
      %add3A_342 = vector.broadcast %add3A_341 : i32 to vector<16xi32>
      %add3A_343 = arith.addi %add3A_301, %add3A_342 : vector<16xi32>
      %mul3A_344 = arith.constant 0 : i32
      %mul3A_345 = vector.broadcast %mul3A_344 : i32 to vector<16xi32>
      %mul3A_346 = arith.muli %iota3A, %mul3A_345 : vector<16xi32>
      %add3A_347 = arith.constant 2 : i32
      %add3A_348 = vector.broadcast %add3A_347 : i32 to vector<16xi32>
      %add3A_349 = arith.addi %mul3A_346, %add3A_348 : vector<16xi32>
      tpu.vector_store_idx %arg8[%add3A_343, %add3A_349], %gather3A_340 : memref<512x32xf32, #tpu.memory_space<vmem>>[vector<16xi32>, vector<16xi32>], vector<16xf32>,
      %add3A_350 = arith.constant 3 : i32
      %add3A_351 = vector.broadcast %add3A_350 : i32 to vector<16xi32>
      %add3A_352 = arith.addi %shift_left3A_311, %add3A_351 : vector<16xi32>
      %gather3A_353 = tpu.vector_load_idx %arg7[%add3A_301, %add3A_352] : memref<256x128xf32, #tpu.memory_space<vmem>>[vector<16xi32>, vector<16xi32>], vector<16xf32>,
      %add3A_354 = arith.constant 0 : i32
      %add3A_355 = vector.broadcast %add3A_354 : i32 to vector<16xi32>
      %add3A_356 = arith.addi %add3A_301, %add3A_355 : vector<16xi32>
      %mul3A_357 = arith.constant 0 : i32
      %mul3A_358 = vector.broadcast %mul3A_357 : i32 to vector<16xi32>
      %mul3A_359 = arith.muli %iota3A, %mul3A_358 : vector<16xi32>
      %add3A_360 = arith.constant 3 : i32
      %add3A_361 = vector.broadcast %add3A_360 : i32 to vector<16xi32>
      %add3A_362 = arith.addi %mul3A_359, %add3A_361 : vector<16xi32>
      tpu.vector_store_idx %arg8[%add3A_356, %add3A_362], %gather3A_353 : memref<512x32xf32, #tpu.memory_space<vmem>>[vector<16xi32>, vector<16xi32>], vector<16xf32>,
      %add3A_363 = arith.constant 4 : i32
      %add3A_364 = vector.broadcast %add3A_363 : i32 to vector<16xi32>
      %add3A_365 = arith.addi %shift_left3A_311, %add3A_364 : vector<16xi32>
      %gather3A_366 = tpu.vector_load_idx %arg7[%add3A_301, %add3A_365] : memref<256x128xf32, #tpu.memory_space<vmem>>[vector<16xi32>, vector<16xi32>], vector<16xf32>,
      %add3A_367 = arith.constant 0 : i32
      %add3A_368 = vector.broadcast %add3A_367 : i32 to vector<16xi32>
      %add3A_369 = arith.addi %add3A_301, %add3A_368 : vector<16xi32>
      %mul3A_370 = arith.constant 0 : i32
      %mul3A_371 = vector.broadcast %mul3A_370 : i32 to vector<16xi32>
      %mul3A_372 = arith.muli %iota3A, %mul3A_371 : vector<16xi32>
      %add3A_373 = arith.constant 4 : i32
      %add3A_374 = vector.broadcast %add3A_373 : i32 to vector<16xi32>
      %add3A_375 = arith.addi %mul3A_372, %add3A_374 : vector<16xi32>
      tpu.vector_store_idx %arg8[%add3A_369, %add3A_375], %gather3A_366 : memref<512x32xf32, #tpu.memory_space<vmem>>[vector<16xi32>, vector<16xi32>], vector<16xf32>,
      %add3A_376 = arith.constant 5 : i32
      %add3A_377 = vector.broadcast %add3A_376 : i32 to vector<16xi32>
      %add3A_378 = arith.addi %shift_left3A_311, %add3A_377 : vector<16xi32>
      %gather3A_379 = tpu.vector_load_idx %arg7[%add3A_301, %add3A_378] : memref<256x128xf32, #tpu.memory_space<vmem>>[vector<16xi32>, vector<16xi32>], vector<16xf32>,
      %add3A_380 = arith.constant 0 : i32
      %add3A_381 = vector.broadcast %add3A_380 : i32 to vector<16xi32>
      %add3A_382 = arith.addi %add3A_301, %add3A_381 : vector<16xi32>
      %mul3A_383 = arith.constant 0 : i32
      %mul3A_384 = vector.broadcast %mul3A_383 : i32 to vector<16xi32>
      %mul3A_385 = arith.muli %iota3A, %mul3A_384 : vector<16xi32>
      %add3A_386 = arith.constant 5 : i32
      %add3A_387 = vector.broadcast %add3A_386 : i32 to vector<16xi32>
      %add3A_388 = arith.addi %mul3A_385, %add3A_387 : vector<16xi32>
      tpu.vector_store_idx %arg8[%add3A_382, %add3A_388], %gather3A_379 : memref<512x32xf32, #tpu.memory_space<vmem>>[vector<16xi32>, vector<16xi32>], vector<16xf32>,
      %add3A_389 = arith.constant 6 : i32
      %add3A_390 = vector.broadcast %add3A_389 : i32 to vector<16xi32>
      %add3A_391 = arith.addi %shift_left3A_311, %add3A_390 : vector<16xi32>
      %gather3A_392 = tpu.vector_load_idx %arg7[%add3A_301, %add3A_391] : memref<256x128xf32, #tpu.memory_space<vmem>>[vector<16xi32>, vector<16xi32>], vector<16xf32>,
      %add3A_393 = arith.constant 0 : i32
      %add3A_394 = vector.broadcast %add3A_393 : i32 to vector<16xi32>
      %add3A_395 = arith.addi %add3A_301, %add3A_394 : vector<16xi32>
      %mul3A_396 = arith.constant 0 : i32
      %mul3A_397 = vector.broadcast %mul3A_396 : i32 to vector<16xi32>
      %mul3A_398 = arith.muli %iota3A, %mul3A_397 : vector<16xi32>
      %add3A_399 = arith.constant 6 : i32
      %add3A_400 = vector.broadcast %add3A_399 : i32 to vector<16xi32>
      %add3A_401 = arith.addi %mul3A_398, %add3A_400 : vector<16xi32>
      tpu.vector_store_idx %arg8[%add3A_395, %add3A_401], %gather3A_392 : memref<512x32xf32, #tpu.memory_space<vmem>>[vector<16xi32>, vector<16xi32>], vector<16xf32>,
      %add3A_402 = arith.constant 7 : i32
      %add3A_403 = vector.broadcast %add3A_402 : i32 to vector<16xi32>
      %add3A_404 = arith.addi %shift_left3A_311, %add3A_403 : vector<16xi32>
      %gather3A_405 = tpu.vector_load_idx %arg7[%add3A_301, %add3A_404] : memref<256x128xf32, #tpu.memory_space<vmem>>[vector<16xi32>, vector<16xi32>], vector<16xf32>,
      %add3A_406 = arith.constant 0 : i32
      %add3A_407 = vector.broadcast %add3A_406 : i32 to vector<16xi32>
      %add3A_408 = arith.addi %add3A_301, %add3A_407 : vector<16xi32>
      %mul3A_409 = arith.constant 0 : i32
      %mul3A_410 = vector.broadcast %mul3A_409 : i32 to vector<16xi32>
      %mul3A_411 = arith.muli %iota3A, %mul3A_410 : vector<16xi32>
      %add3A_412 = arith.constant 7 : i32
      %add3A_413 = vector.broadcast %add3A_412 : i32 to vector<16xi32>
      %add3A_414 = arith.addi %mul3A_411, %add3A_413 : vector<16xi32>
      tpu.vector_store_idx %arg8[%add3A_408, %add3A_414], %gather3A_405 : memref<512x32xf32, #tpu.memory_space<vmem>>[vector<16xi32>, vector<16xi32>], vector<16xf32>,
      %add3A_415 = arith.constant 8 : i32
      %add3A_416 = vector.broadcast %add3A_415 : i32 to vector<16xi32>
      %add3A_417 = arith.addi %shift_left3A_311, %add3A_416 : vector<16xi32>
      %gather3A_418 = tpu.vector_load_idx %arg7[%add3A_301, %add3A_417] : memref<256x128xf32, #tpu.memory_space<vmem>>[vector<16xi32>, vector<16xi32>], vector<16xf32>,
      %add3A_419 = arith.constant 0 : i32
      %add3A_420 = vector.broadcast %add3A_419 : i32 to vector<16xi32>
      %add3A_421 = arith.addi %add3A_301, %add3A_420 : vector<16xi32>
      %mul3A_422 = arith.constant 0 : i32
      %mul3A_423 = vector.broadcast %mul3A_422 : i32 to vector<16xi32>
      %mul3A_424 = arith.muli %iota3A, %mul3A_423 : vector<16xi32>
      %add3A_425 = arith.constant 8 : i32
      %add3A_426 = vector.broadcast %add3A_425 : i32 to vector<16xi32>
      %add3A_427 = arith.addi %mul3A_424, %add3A_426 : vector<16xi32>
      tpu.vector_store_idx %arg8[%add3A_421, %add3A_427], %gather3A_418 : memref<512x32xf32, #tpu.memory_space<vmem>>[vector<16xi32>, vector<16xi32>], vector<16xf32>,
      %add3A_428 = arith.constant 9 : i32
      %add3A_429 = vector.broadcast %add3A_428 : i32 to vector<16xi32>
      %add3A_430 = arith.addi %shift_left3A_311, %add3A_429 : vector<16xi32>
      %gather3A_431 = tpu.vector_load_idx %arg7[%add3A_301, %add3A_430] : memref<256x128xf32, #tpu.memory_space<vmem>>[vector<16xi32>, vector<16xi32>], vector<16xf32>,
      %add3A_432 = arith.constant 0 : i32
      %add3A_433 = vector.broadcast %add3A_432 : i32 to vector<16xi32>
      %add3A_434 = arith.addi %add3A_301, %add3A_433 : vector<16xi32>
      %mul3A_435 = arith.constant 0 : i32
      %mul3A_436 = vector.broadcast %mul3A_435 : i32 to vector<16xi32>
      %mul3A_437 = arith.muli %iota3A, %mul3A_436 : vector<16xi32>
      %add3A_438 = arith.constant 9 : i32
      %add3A_439 = vector.broadcast %add3A_438 : i32 to vector<16xi32>
      %add3A_440 = arith.addi %mul3A_437, %add3A_439 : vector<16xi32>
      tpu.vector_store_idx %arg8[%add3A_434, %add3A_440], %gather3A_431 : memref<512x32xf32, #tpu.memory_space<vmem>>[vector<16xi32>, vector<16xi32>], vector<16xf32>,
      %add3A_441 = arith.constant 10 : i32
      %add3A_442 = vector.broadcast %add3A_441 : i32 to vector<16xi32>
      %add3A_443 = arith.addi %shift_left3A_311, %add3A_442 : vector<16xi32>
      %gather3A_444 = tpu.vector_load_idx %arg7[%add3A_301, %add3A_443] : memref<256x128xf32, #tpu.memory_space<vmem>>[vector<16xi32>, vector<16xi32>], vector<16xf32>,
      %add3A_445 = arith.constant 0 : i32
      %add3A_446 = vector.broadcast %add3A_445 : i32 to vector<16xi32>
      %add3A_447 = arith.addi %add3A_301, %add3A_446 : vector<16xi32>
      %mul3A_448 = arith.constant 0 : i32
      %mul3A_449 = vector.broadcast %mul3A_448 : i32 to vector<16xi32>
      %mul3A_450 = arith.muli %iota3A, %mul3A_449 : vector<16xi32>
      %add3A_451 = arith.constant 10 : i32
      %add3A_452 = vector.broadcast %add3A_451 : i32 to vector<16xi32>
      %add3A_453 = arith.addi %mul3A_450, %add3A_452 : vector<16xi32>
      tpu.vector_store_idx %arg8[%add3A_447, %add3A_453], %gather3A_444 : memref<512x32xf32, #tpu.memory_space<vmem>>[vector<16xi32>, vector<16xi32>], vector<16xf32>,
      %add3A_454 = arith.constant 11 : i32
      %add3A_455 = vector.broadcast %add3A_454 : i32 to vector<16xi32>
      %add3A_456 = arith.addi %shift_left3A_311, %add3A_455 : vector<16xi32>
      %gather3A_457 = tpu.vector_load_idx %arg7[%add3A_301, %add3A_456] : memref<256x128xf32, #tpu.memory_space<vmem>>[vector<16xi32>, vector<16xi32>], vector<16xf32>,
      %add3A_458 = arith.constant 0 : i32
      %add3A_459 = vector.broadcast %add3A_458 : i32 to vector<16xi32>
      %add3A_460 = arith.addi %add3A_301, %add3A_459 : vector<16xi32>
      %mul3A_461 = arith.constant 0 : i32
      %mul3A_462 = vector.broadcast %mul3A_461 : i32 to vector<16xi32>
      %mul3A_463 = arith.muli %iota3A, %mul3A_462 : vector<16xi32>
      %add3A_464 = arith.constant 11 : i32
      %add3A_465 = vector.broadcast %add3A_464 : i32 to vector<16xi32>
      %add3A_466 = arith.addi %mul3A_463, %add3A_465 : vector<16xi32>
      tpu.vector_store_idx %arg8[%add3A_460, %add3A_466], %gather3A_457 : memref<512x32xf32, #tpu.memory_space<vmem>>[vector<16xi32>, vector<16xi32>], vector<16xf32>,
      %add3A_467 = arith.constant 12 : i32
      %add3A_468 = vector.broadcast %add3A_467 : i32 to vector<16xi32>
      %add3A_469 = arith.addi %shift_left3A_311, %add3A_468 : vector<16xi32>
      %gather3A_470 = tpu.vector_load_idx %arg7[%add3A_301, %add3A_469] : memref<256x128xf32, #tpu.memory_space<vmem>>[vector<16xi32>, vector<16xi32>], vector<16xf32>,
      %add3A_471 = arith.constant 0 : i32
      %add3A_472 = vector.broadcast %add3A_471 : i32 to vector<16xi32>
      %add3A_473 = arith.addi %add3A_301, %add3A_472 : vector<16xi32>
      %mul3A_474 = arith.constant 0 : i32
      %mul3A_475 = vector.broadcast %mul3A_474 : i32 to vector<16xi32>
      %mul3A_476 = arith.muli %iota3A, %mul3A_475 : vector<16xi32>
      %add3A_477 = arith.constant 12 : i32
      %add3A_478 = vector.broadcast %add3A_477 : i32 to vector<16xi32>
      %add3A_479 = arith.addi %mul3A_476, %add3A_478 : vector<16xi32>
      tpu.vector_store_idx %arg8[%add3A_473, %add3A_479], %gather3A_470 : memref<512x32xf32, #tpu.memory_space<vmem>>[vector<16xi32>, vector<16xi32>], vector<16xf32>,
      %add3A_480 = arith.constant 13 : i32
      %add3A_481 = vector.broadcast %add3A_480 : i32 to vector<16xi32>
      %add3A_482 = arith.addi %shift_left3A_311, %add3A_481 : vector<16xi32>
      %gather3A_483 = tpu.vector_load_idx %arg7[%add3A_301, %add3A_482] : memref<256x128xf32, #tpu.memory_space<vmem>>[vector<16xi32>, vector<16xi32>], vector<16xf32>,
      %add3A_484 = arith.constant 0 : i32
      %add3A_485 = vector.broadcast %add3A_484 : i32 to vector<16xi32>
      %add3A_486 = arith.addi %add3A_301, %add3A_485 : vector<16xi32>
      %mul3A_487 = arith.constant 0 : i32
      %mul3A_488 = vector.broadcast %mul3A_487 : i32 to vector<16xi32>
      %mul3A_489 = arith.muli %iota3A, %mul3A_488 : vector<16xi32>
      %add3A_490 = arith.constant 13 : i32
      %add3A_491 = vector.broadcast %add3A_490 : i32 to vector<16xi32>
      %add3A_492 = arith.addi %mul3A_489, %add3A_491 : vector<16xi32>
      tpu.vector_store_idx %arg8[%add3A_486, %add3A_492], %gather3A_483 : memref<512x32xf32, #tpu.memory_space<vmem>>[vector<16xi32>, vector<16xi32>], vector<16xf32>,
      %add3A_493 = arith.constant 14 : i32
      %add3A_494 = vector.broadcast %add3A_493 : i32 to vector<16xi32>
      %add3A_495 = arith.addi %shift_left3A_311, %add3A_494 : vector<16xi32>
      %gather3A_496 = tpu.vector_load_idx %arg7[%add3A_301, %add3A_495] : memref<256x128xf32, #tpu.memory_space<vmem>>[vector<16xi32>, vector<16xi32>], vector<16xf32>,
      %add3A_497 = arith.constant 0 : i32
      %add3A_498 = vector.broadcast %add3A_497 : i32 to vector<16xi32>
      %add3A_499 = arith.addi %add3A_301, %add3A_498 : vector<16xi32>
      %mul3A_500 = arith.constant 0 : i32
      %mul3A_501 = vector.broadcast %mul3A_500 : i32 to vector<16xi32>
      %mul3A_502 = arith.muli %iota3A, %mul3A_501 : vector<16xi32>
      %add3A_503 = arith.constant 14 : i32
      %add3A_504 = vector.broadcast %add3A_503 : i32 to vector<16xi32>
      %add3A_505 = arith.addi %mul3A_502, %add3A_504 : vector<16xi32>
      tpu.vector_store_idx %arg8[%add3A_499, %add3A_505], %gather3A_496 : memref<512x32xf32, #tpu.memory_space<vmem>>[vector<16xi32>, vector<16xi32>], vector<16xf32>,
      %add3A_506 = arith.constant 15 : i32
      %add3A_507 = vector.broadcast %add3A_506 : i32 to vector<16xi32>
      %add3A_508 = arith.addi %shift_left3A_311, %add3A_507 : vector<16xi32>
      %gather3A_509 = tpu.vector_load_idx %arg7[%add3A_301, %add3A_508] : memref<256x128xf32, #tpu.memory_space<vmem>>[vector<16xi32>, vector<16xi32>], vector<16xf32>,
      %add3A_510 = arith.constant 0 : i32
      %add3A_511 = vector.broadcast %add3A_510 : i32 to vector<16xi32>
      %add3A_512 = arith.addi %add3A_301, %add3A_511 : vector<16xi32>
      %mul3A_513 = arith.constant 0 : i32
      %mul3A_514 = vector.broadcast %mul3A_513 : i32 to vector<16xi32>
      %mul3A_515 = arith.muli %iota3A, %mul3A_514 : vector<16xi32>
      %add3A_516 = arith.constant 15 : i32
      %add3A_517 = vector.broadcast %add3A_516 : i32 to vector<16xi32>
      %add3A_518 = arith.addi %mul3A_515, %add3A_517 : vector<16xi32>
      tpu.vector_store_idx %arg8[%add3A_512, %add3A_518], %gather3A_509 : memref<512x32xf32, #tpu.memory_space<vmem>>[vector<16xi32>, vector<16xi32>], vector<16xf32>,
      %add3A_519 = arith.constant 16 : i32
      %add3A_520 = vector.broadcast %add3A_519 : i32 to vector<16xi32>
      %add3A_521 = arith.addi %shift_left3A_311, %add3A_520 : vector<16xi32>
      %gather3A_522 = tpu.vector_load_idx %arg7[%add3A_301, %add3A_521] : memref<256x128xf32, #tpu.memory_space<vmem>>[vector<16xi32>, vector<16xi32>], vector<16xf32>,
      %add3A_523 = arith.constant 0 : i32
      %add3A_524 = vector.broadcast %add3A_523 : i32 to vector<16xi32>
      %add3A_525 = arith.addi %add3A_301, %add3A_524 : vector<16xi32>
      %mul3A_526 = arith.constant 0 : i32
      %mul3A_527 = vector.broadcast %mul3A_526 : i32 to vector<16xi32>
      %mul3A_528 = arith.muli %iota3A, %mul3A_527 : vector<16xi32>
      %add3A_529 = arith.constant 16 : i32
      %add3A_530 = vector.broadcast %add3A_529 : i32 to vector<16xi32>
      %add3A_531 = arith.addi %mul3A_528, %add3A_530 : vector<16xi32>
      tpu.vector_store_idx %arg8[%add3A_525, %add3A_531], %gather3A_522 : memref<512x32xf32, #tpu.memory_space<vmem>>[vector<16xi32>, vector<16xi32>], vector<16xf32>,
      %add3A_532 = arith.constant 17 : i32
      %add3A_533 = vector.broadcast %add3A_532 : i32 to vector<16xi32>
      %add3A_534 = arith.addi %shift_left3A_311, %add3A_533 : vector<16xi32>
      %gather3A_535 = tpu.vector_load_idx %arg7[%add3A_301, %add3A_534] : memref<256x128xf32, #tpu.memory_space<vmem>>[vector<16xi32>, vector<16xi32>], vector<16xf32>,
      %add3A_536 = arith.constant 0 : i32
      %add3A_537 = vector.broadcast %add3A_536 : i32 to vector<16xi32>
      %add3A_538 = arith.addi %add3A_301, %add3A_537 : vector<16xi32>
      %mul3A_539 = arith.constant 0 : i32
      %mul3A_540 = vector.broadcast %mul3A_539 : i32 to vector<16xi32>
      %mul3A_541 = arith.muli %iota3A, %mul3A_540 : vector<16xi32>
      %add3A_542 = arith.constant 17 : i32
      %add3A_543 = vector.broadcast %add3A_542 : i32 to vector<16xi32>
      %add3A_544 = arith.addi %mul3A_541, %add3A_543 : vector<16xi32>
      tpu.vector_store_idx %arg8[%add3A_538, %add3A_544], %gather3A_535 : memref<512x32xf32, #tpu.memory_space<vmem>>[vector<16xi32>, vector<16xi32>], vector<16xf32>,
      %add3A_545 = arith.constant 18 : i32
      %add3A_546 = vector.broadcast %add3A_545 : i32 to vector<16xi32>
      %add3A_547 = arith.addi %shift_left3A_311, %add3A_546 : vector<16xi32>
      %gather3A_548 = tpu.vector_load_idx %arg7[%add3A_301, %add3A_547] : memref<256x128xf32, #tpu.memory_space<vmem>>[vector<16xi32>, vector<16xi32>], vector<16xf32>,
      %add3A_549 = arith.constant 0 : i32
      %add3A_550 = vector.broadcast %add3A_549 : i32 to vector<16xi32>
      %add3A_551 = arith.addi %add3A_301, %add3A_550 : vector<16xi32>
      %mul3A_552 = arith.constant 0 : i32
      %mul3A_553 = vector.broadcast %mul3A_552 : i32 to vector<16xi32>
      %mul3A_554 = arith.muli %iota3A, %mul3A_553 : vector<16xi32>
      %add3A_555 = arith.constant 18 : i32
      %add3A_556 = vector.broadcast %add3A_555 : i32 to vector<16xi32>
      %add3A_557 = arith.addi %mul3A_554, %add3A_556 : vector<16xi32>
      tpu.vector_store_idx %arg8[%add3A_551, %add3A_557], %gather3A_548 : memref<512x32xf32, #tpu.memory_space<vmem>>[vector<16xi32>, vector<16xi32>], vector<16xf32>,
      %add3A_558 = arith.constant 19 : i32
      %add3A_559 = vector.broadcast %add3A_558 : i32 to vector<16xi32>
      %add3A_560 = arith.addi %shift_left3A_311, %add3A_559 : vector<16xi32>
      %gather3A_561 = tpu.vector_load_idx %arg7[%add3A_301, %add3A_560] : memref<256x128xf32, #tpu.memory_space<vmem>>[vector<16xi32>, vector<16xi32>], vector<16xf32>,
      %add3A_562 = arith.constant 0 : i32
      %add3A_563 = vector.broadcast %add3A_562 : i32 to vector<16xi32>
      %add3A_564 = arith.addi %add3A_301, %add3A_563 : vector<16xi32>
      %mul3A_565 = arith.constant 0 : i32
      %mul3A_566 = vector.broadcast %mul3A_565 : i32 to vector<16xi32>
      %mul3A_567 = arith.muli %iota3A, %mul3A_566 : vector<16xi32>
      %add3A_568 = arith.constant 19 : i32
      %add3A_569 = vector.broadcast %add3A_568 : i32 to vector<16xi32>
      %add3A_570 = arith.addi %mul3A_567, %add3A_569 : vector<16xi32>
      tpu.vector_store_idx %arg8[%add3A_564, %add3A_570], %gather3A_561 : memref<512x32xf32, #tpu.memory_space<vmem>>[vector<16xi32>, vector<16xi32>], vector<16xf32>,
      %add3A_571 = arith.constant 20 : i32
      %add3A_572 = vector.broadcast %add3A_571 : i32 to vector<16xi32>
      %add3A_573 = arith.addi %shift_left3A_311, %add3A_572 : vector<16xi32>
      %gather3A_574 = tpu.vector_load_idx %arg7[%add3A_301, %add3A_573] : memref<256x128xf32, #tpu.memory_space<vmem>>[vector<16xi32>, vector<16xi32>], vector<16xf32>,
      %add3A_575 = arith.constant 0 : i32
      %add3A_576 = vector.broadcast %add3A_575 : i32 to vector<16xi32>
      %add3A_577 = arith.addi %add3A_301, %add3A_576 : vector<16xi32>
      %mul3A_578 = arith.constant 0 : i32
      %mul3A_579 = vector.broadcast %mul3A_578 : i32 to vector<16xi32>
      %mul3A_580 = arith.muli %iota3A, %mul3A_579 : vector<16xi32>
      %add3A_581 = arith.constant 20 : i32
      %add3A_582 = vector.broadcast %add3A_581 : i32 to vector<16xi32>
      %add3A_583 = arith.addi %mul3A_580, %add3A_582 : vector<16xi32>
      tpu.vector_store_idx %arg8[%add3A_577, %add3A_583], %gather3A_574 : memref<512x32xf32, #tpu.memory_space<vmem>>[vector<16xi32>, vector<16xi32>], vector<16xf32>,
      %add3A_584 = arith.constant 21 : i32
      %add3A_585 = vector.broadcast %add3A_584 : i32 to vector<16xi32>
      %add3A_586 = arith.addi %shift_left3A_311, %add3A_585 : vector<16xi32>
      %gather3A_587 = tpu.vector_load_idx %arg7[%add3A_301, %add3A_586] : memref<256x128xf32, #tpu.memory_space<vmem>>[vector<16xi32>, vector<16xi32>], vector<16xf32>,
      %add3A_588 = arith.constant 0 : i32
      %add3A_589 = vector.broadcast %add3A_588 : i32 to vector<16xi32>
      %add3A_590 = arith.addi %add3A_301, %add3A_589 : vector<16xi32>
      %mul3A_591 = arith.constant 0 : i32
      %mul3A_592 = vector.broadcast %mul3A_591 : i32 to vector<16xi32>
      %mul3A_593 = arith.muli %iota3A, %mul3A_592 : vector<16xi32>
      %add3A_594 = arith.constant 21 : i32
      %add3A_595 = vector.broadcast %add3A_594 : i32 to vector<16xi32>
      %add3A_596 = arith.addi %mul3A_593, %add3A_595 : vector<16xi32>
      tpu.vector_store_idx %arg8[%add3A_590, %add3A_596], %gather3A_587 : memref<512x32xf32, #tpu.memory_space<vmem>>[vector<16xi32>, vector<16xi32>], vector<16xf32>,
      %add3A_597 = arith.constant 22 : i32
      %add3A_598 = vector.broadcast %add3A_597 : i32 to vector<16xi32>
      %add3A_599 = arith.addi %shift_left3A_311, %add3A_598 : vector<16xi32>
      %gather3A_600 = tpu.vector_load_idx %arg7[%add3A_301, %add3A_599] : memref<256x128xf32, #tpu.memory_space<vmem>>[vector<16xi32>, vector<16xi32>], vector<16xf32>,
      %add3A_601 = arith.constant 0 : i32
      %add3A_602 = vector.broadcast %add3A_601 : i32 to vector<16xi32>
      %add3A_603 = arith.addi %add3A_301, %add3A_602 : vector<16xi32>
      %mul3A_604 = arith.constant 0 : i32
      %mul3A_605 = vector.broadcast %mul3A_604 : i32 to vector<16xi32>
      %mul3A_606 = arith.muli %iota3A, %mul3A_605 : vector<16xi32>
      %add3A_607 = arith.constant 22 : i32
      %add3A_608 = vector.broadcast %add3A_607 : i32 to vector<16xi32>
      %add3A_609 = arith.addi %mul3A_606, %add3A_608 : vector<16xi32>
      tpu.vector_store_idx %arg8[%add3A_603, %add3A_609], %gather3A_600 : memref<512x32xf32, #tpu.memory_space<vmem>>[vector<16xi32>, vector<16xi32>], vector<16xf32>,
      %add3A_610 = arith.constant 23 : i32
      %add3A_611 = vector.broadcast %add3A_610 : i32 to vector<16xi32>
      %add3A_612 = arith.addi %shift_left3A_311, %add3A_611 : vector<16xi32>
      %gather3A_613 = tpu.vector_load_idx %arg7[%add3A_301, %add3A_612] : memref<256x128xf32, #tpu.memory_space<vmem>>[vector<16xi32>, vector<16xi32>], vector<16xf32>,
      %add3A_614 = arith.constant 0 : i32
      %add3A_615 = vector.broadcast %add3A_614 : i32 to vector<16xi32>
      %add3A_616 = arith.addi %add3A_301, %add3A_615 : vector<16xi32>
      %mul3A_617 = arith.constant 0 : i32
      %mul3A_618 = vector.broadcast %mul3A_617 : i32 to vector<16xi32>
      %mul3A_619 = arith.muli %iota3A, %mul3A_618 : vector<16xi32>
      %add3A_620 = arith.constant 23 : i32
      %add3A_621 = vector.broadcast %add3A_620 : i32 to vector<16xi32>
      %add3A_622 = arith.addi %mul3A_619, %add3A_621 : vector<16xi32>
      tpu.vector_store_idx %arg8[%add3A_616, %add3A_622], %gather3A_613 : memref<512x32xf32, #tpu.memory_space<vmem>>[vector<16xi32>, vector<16xi32>], vector<16xf32>,
      %add3A_623 = arith.constant 24 : i32
      %add3A_624 = vector.broadcast %add3A_623 : i32 to vector<16xi32>
      %add3A_625 = arith.addi %shift_left3A_311, %add3A_624 : vector<16xi32>
      %gather3A_626 = tpu.vector_load_idx %arg7[%add3A_301, %add3A_625] : memref<256x128xf32, #tpu.memory_space<vmem>>[vector<16xi32>, vector<16xi32>], vector<16xf32>,
      %add3A_627 = arith.constant 0 : i32
      %add3A_628 = vector.broadcast %add3A_627 : i32 to vector<16xi32>
      %add3A_629 = arith.addi %add3A_301, %add3A_628 : vector<16xi32>
      %mul3A_630 = arith.constant 0 : i32
      %mul3A_631 = vector.broadcast %mul3A_630 : i32 to vector<16xi32>
      %mul3A_632 = arith.muli %iota3A, %mul3A_631 : vector<16xi32>
      %add3A_633 = arith.constant 24 : i32
      %add3A_634 = vector.broadcast %add3A_633 : i32 to vector<16xi32>
      %add3A_635 = arith.addi %mul3A_632, %add3A_634 : vector<16xi32>
      tpu.vector_store_idx %arg8[%add3A_629, %add3A_635], %gather3A_626 : memref<512x32xf32, #tpu.memory_space<vmem>>[vector<16xi32>, vector<16xi32>], vector<16xf32>,
      %add3A_636 = arith.constant 25 : i32
      %add3A_637 = vector.broadcast %add3A_636 : i32 to vector<16xi32>
      %add3A_638 = arith.addi %shift_left3A_311, %add3A_637 : vector<16xi32>
      %gather3A_639 = tpu.vector_load_idx %arg7[%add3A_301, %add3A_638] : memref<256x128xf32, #tpu.memory_space<vmem>>[vector<16xi32>, vector<16xi32>], vector<16xf32>,
      %add3A_640 = arith.constant 0 : i32
      %add3A_641 = vector.broadcast %add3A_640 : i32 to vector<16xi32>
      %add3A_642 = arith.addi %add3A_301, %add3A_641 : vector<16xi32>
      %mul3A_643 = arith.constant 0 : i32
      %mul3A_644 = vector.broadcast %mul3A_643 : i32 to vector<16xi32>
      %mul3A_645 = arith.muli %iota3A, %mul3A_644 : vector<16xi32>
      %add3A_646 = arith.constant 25 : i32
      %add3A_647 = vector.broadcast %add3A_646 : i32 to vector<16xi32>
      %add3A_648 = arith.addi %mul3A_645, %add3A_647 : vector<16xi32>
      tpu.vector_store_idx %arg8[%add3A_642, %add3A_648], %gather3A_639 : memref<512x32xf32, #tpu.memory_space<vmem>>[vector<16xi32>, vector<16xi32>], vector<16xf32>,
      %add3A_649 = arith.constant 26 : i32
      %add3A_650 = vector.broadcast %add3A_649 : i32 to vector<16xi32>
      %add3A_651 = arith.addi %shift_left3A_311, %add3A_650 : vector<16xi32>
      %gather3A_652 = tpu.vector_load_idx %arg7[%add3A_301, %add3A_651] : memref<256x128xf32, #tpu.memory_space<vmem>>[vector<16xi32>, vector<16xi32>], vector<16xf32>,
      %add3A_653 = arith.constant 0 : i32
      %add3A_654 = vector.broadcast %add3A_653 : i32 to vector<16xi32>
      %add3A_655 = arith.addi %add3A_301, %add3A_654 : vector<16xi32>
      %mul3A_656 = arith.constant 0 : i32
      %mul3A_657 = vector.broadcast %mul3A_656 : i32 to vector<16xi32>
      %mul3A_658 = arith.muli %iota3A, %mul3A_657 : vector<16xi32>
      %add3A_659 = arith.constant 26 : i32
      %add3A_660 = vector.broadcast %add3A_659 : i32 to vector<16xi32>
      %add3A_661 = arith.addi %mul3A_658, %add3A_660 : vector<16xi32>
      tpu.vector_store_idx %arg8[%add3A_655, %add3A_661], %gather3A_652 : memref<512x32xf32, #tpu.memory_space<vmem>>[vector<16xi32>, vector<16xi32>], vector<16xf32>,
      %add3A_662 = arith.constant 27 : i32
      %add3A_663 = vector.broadcast %add3A_662 : i32 to vector<16xi32>
      %add3A_664 = arith.addi %shift_left3A_311, %add3A_663 : vector<16xi32>
      %gather3A_665 = tpu.vector_load_idx %arg7[%add3A_301, %add3A_664] : memref<256x128xf32, #tpu.memory_space<vmem>>[vector<16xi32>, vector<16xi32>], vector<16xf32>,
      %add3A_666 = arith.constant 0 : i32
      %add3A_667 = vector.broadcast %add3A_666 : i32 to vector<16xi32>
      %add3A_668 = arith.addi %add3A_301, %add3A_667 : vector<16xi32>
      %mul3A_669 = arith.constant 0 : i32
      %mul3A_670 = vector.broadcast %mul3A_669 : i32 to vector<16xi32>
      %mul3A_671 = arith.muli %iota3A, %mul3A_670 : vector<16xi32>
      %add3A_672 = arith.constant 27 : i32
      %add3A_673 = vector.broadcast %add3A_672 : i32 to vector<16xi32>
      %add3A_674 = arith.addi %mul3A_671, %add3A_673 : vector<16xi32>
      tpu.vector_store_idx %arg8[%add3A_668, %add3A_674], %gather3A_665 : memref<512x32xf32, #tpu.memory_space<vmem>>[vector<16xi32>, vector<16xi32>], vector<16xf32>,
      %add3A_675 = arith.constant 28 : i32
      %add3A_676 = vector.broadcast %add3A_675 : i32 to vector<16xi32>
      %add3A_677 = arith.addi %shift_left3A_311, %add3A_676 : vector<16xi32>
      %gather3A_678 = tpu.vector_load_idx %arg7[%add3A_301, %add3A_677] : memref<256x128xf32, #tpu.memory_space<vmem>>[vector<16xi32>, vector<16xi32>], vector<16xf32>,
      %add3A_679 = arith.constant 0 : i32
      %add3A_680 = vector.broadcast %add3A_679 : i32 to vector<16xi32>
      %add3A_681 = arith.addi %add3A_301, %add3A_680 : vector<16xi32>
      %mul3A_682 = arith.constant 0 : i32
      %mul3A_683 = vector.broadcast %mul3A_682 : i32 to vector<16xi32>
      %mul3A_684 = arith.muli %iota3A, %mul3A_683 : vector<16xi32>
      %add3A_685 = arith.constant 28 : i32
      %add3A_686 = vector.broadcast %add3A_685 : i32 to vector<16xi32>
      %add3A_687 = arith.addi %mul3A_684, %add3A_686 : vector<16xi32>
      tpu.vector_store_idx %arg8[%add3A_681, %add3A_687], %gather3A_678 : memref<512x32xf32, #tpu.memory_space<vmem>>[vector<16xi32>, vector<16xi32>], vector<16xf32>,
      %add3A_688 = arith.constant 29 : i32
      %add3A_689 = vector.broadcast %add3A_688 : i32 to vector<16xi32>
      %add3A_690 = arith.addi %shift_left3A_311, %add3A_689 : vector<16xi32>
      %gather3A_691 = tpu.vector_load_idx %arg7[%add3A_301, %add3A_690] : memref<256x128xf32, #tpu.memory_space<vmem>>[vector<16xi32>, vector<16xi32>], vector<16xf32>,
      %add3A_692 = arith.constant 0 : i32
      %add3A_693 = vector.broadcast %add3A_692 : i32 to vector<16xi32>
      %add3A_694 = arith.addi %add3A_301, %add3A_693 : vector<16xi32>
      %mul3A_695 = arith.constant 0 : i32
      %mul3A_696 = vector.broadcast %mul3A_695 : i32 to vector<16xi32>
      %mul3A_697 = arith.muli %iota3A, %mul3A_696 : vector<16xi32>
      %add3A_698 = arith.constant 29 : i32
      %add3A_699 = vector.broadcast %add3A_698 : i32 to vector<16xi32>
      %add3A_700 = arith.addi %mul3A_697, %add3A_699 : vector<16xi32>
      tpu.vector_store_idx %arg8[%add3A_694, %add3A_700], %gather3A_691 : memref<512x32xf32, #tpu.memory_space<vmem>>[vector<16xi32>, vector<16xi32>], vector<16xf32>,
      %add3A_701 = arith.constant 30 : i32
      %add3A_702 = vector.broadcast %add3A_701 : i32 to vector<16xi32>
      %add3A_703 = arith.addi %shift_left3A_311, %add3A_702 : vector<16xi32>
      %gather3A_704 = tpu.vector_load_idx %arg7[%add3A_301, %add3A_703] : memref<256x128xf32, #tpu.memory_space<vmem>>[vector<16xi32>, vector<16xi32>], vector<16xf32>,
      %add3A_705 = arith.constant 0 : i32
      %add3A_706 = vector.broadcast %add3A_705 : i32 to vector<16xi32>
      %add3A_707 = arith.addi %add3A_301, %add3A_706 : vector<16xi32>
      %mul3A_708 = arith.constant 0 : i32
      %mul3A_709 = vector.broadcast %mul3A_708 : i32 to vector<16xi32>
      %mul3A_710 = arith.muli %iota3A, %mul3A_709 : vector<16xi32>
      %add3A_711 = arith.constant 30 : i32
      %add3A_712 = vector.broadcast %add3A_711 : i32 to vector<16xi32>
      %add3A_713 = arith.addi %mul3A_710, %add3A_712 : vector<16xi32>
      tpu.vector_store_idx %arg8[%add3A_707, %add3A_713], %gather3A_704 : memref<512x32xf32, #tpu.memory_space<vmem>>[vector<16xi32>, vector<16xi32>], vector<16xf32>,
      %add3A_714 = arith.constant 31 : i32
      %add3A_715 = vector.broadcast %add3A_714 : i32 to vector<16xi32>
      %add3A_716 = arith.addi %shift_left3A_311, %add3A_715 : vector<16xi32>
      %gather3A_717 = tpu.vector_load_idx %arg7[%add3A_301, %add3A_716] : memref<256x128xf32, #tpu.memory_space<vmem>>[vector<16xi32>, vector<16xi32>], vector<16xf32>,
      %add3A_718 = arith.constant 0 : i32
      %add3A_719 = vector.broadcast %add3A_718 : i32 to vector<16xi32>
      %add3A_720 = arith.addi %add3A_301, %add3A_719 : vector<16xi32>
      %mul3A_721 = arith.constant 0 : i32
      %mul3A_722 = vector.broadcast %mul3A_721 : i32 to vector<16xi32>
      %mul3A_723 = arith.muli %iota3A, %mul3A_722 : vector<16xi32>
      %add3A_724 = arith.constant 31 : i32
      %add3A_725 = vector.broadcast %add3A_724 : i32 to vector<16xi32>
      %add3A_726 = arith.addi %mul3A_723, %add3A_725 : vector<16xi32>
      tpu.vector_store_idx %arg8[%add3A_720, %add3A_726], %gather3A_717 : memref<512x32xf32, #tpu.memory_space<vmem>>[vector<16xi32>, vector<16xi32>], vector<16xf32>,
    }
    %scan3A_258 = arith.constant 16 : i32
    %dma_start3A_259 = arith.constant 0 : i32
    %dma_start3A_260 = arith.constant 0 : i32
    %dma_start3A_261 = tpu.memref_slice %arg7[%dma_start3A_259, %dma_start3A_260] : memref<256x128xf32, #tpu.memory_space<vmem>> -> memref<128x128xf32, #tpu.memory_space<vmem>>
    %dma_start3A_262 = arith.constant 256 : i32
    %dma_start3A_263 = tpu.memref_slice %arg6[%dma_start3A_262] : memref<512xi32, #tpu.memory_space<vmem>> -> memref<128xi32, #tpu.memory_space<vmem>>
    %dma_start3A_264 = arith.constant 0 : i32
    %dma_start3A_265 = arith.constant 0 : i32
    %dma_start3A_266 = tpu.memref_slice %arg3[%dma_start3A_264, %dma_start3A_265] : memref<250000x128xf32, #tpu.memory_space<hbm>> -> memref<250000x128xf32, #tpu.memory_space<hbm>>
    tpu.enqueue_indirect_dma source(%dma_start3A_266 : memref<250000x128xf32, #tpu.memory_space<hbm>>) target(%dma_start3A_261 : memref<128x128xf32, #tpu.memory_space<vmem>>) offsets(%dma_start3A_263 : memref<128xi32, #tpu.memory_space<vmem>>) semaphore(%arg9 : memref<!tpu.dma_semaphore, #tpu.memory_space<semaphore_mem>>)
    %dma_start3A_267 = arith.constant 128 : i32
    %dma_start3A_268 = arith.constant 0 : i32
    %dma_start3A_269 = tpu.memref_slice %arg7[%dma_start3A_267, %dma_start3A_268] : memref<256x128xf32, #tpu.memory_space<vmem>> -> memref<128x128xf32, #tpu.memory_space<vmem>>
    %dma_start3A_270 = arith.constant 384 : i32
    %dma_start3A_271 = tpu.memref_slice %arg6[%dma_start3A_270] : memref<512xi32, #tpu.memory_space<vmem>> -> memref<128xi32, #tpu.memory_space<vmem>>
    %dma_start3A_272 = arith.constant 0 : i32
    %dma_start3A_273 = arith.constant 0 : i32
    %dma_start3A_274 = tpu.memref_slice %arg3[%dma_start3A_272, %dma_start3A_273] : memref<250000x128xf32, #tpu.memory_space<hbm>> -> memref<250000x128xf32, #tpu.memory_space<hbm>>
    tpu.enqueue_indirect_dma source(%dma_start3A_274 : memref<250000x128xf32, #tpu.memory_space<hbm>>) target(%dma_start3A_269 : memref<128x128xf32, #tpu.memory_space<vmem>>) offsets(%dma_start3A_271 : memref<128xi32, #tpu.memory_space<vmem>>) semaphore(%arg9 : memref<!tpu.dma_semaphore, #tpu.memory_space<semaphore_mem>>)
    %dma_wait3A_275 = arith.constant 0 : i32
    %dma_wait3A_276 = arith.constant 0 : i32
    %dma_wait3A_277 = tpu.memref_slice %arg7[%dma_wait3A_275, %dma_wait3A_276] : memref<256x128xf32, #tpu.memory_space<vmem>> -> memref<128x128xf32, #tpu.memory_space<vmem>>
    %dma_wait3A_278 = arith.constant 256 : i32
    %dma_wait3A_279 = tpu.memref_slice %arg6[%dma_wait3A_278] : memref<512xi32, #tpu.memory_space<vmem>> -> memref<128xi32, #tpu.memory_space<vmem>>
    %dma_wait3A_280 = arith.constant 0 : i32
    %dma_wait3A_281 = arith.constant 0 : i32
    %dma_wait3A_282 = tpu.memref_slice %arg3[%dma_wait3A_280, %dma_wait3A_281] : memref<250000x128xf32, #tpu.memory_space<hbm>> -> memref<250000x128xf32, #tpu.memory_space<hbm>>
    tpu.wait_indirect_dma semaphore(%arg9 : memref<!tpu.dma_semaphore, #tpu.memory_space<semaphore_mem>>) src(%dma_wait3A_282 : memref<250000x128xf32, #tpu.memory_space<hbm>>) dst(%dma_wait3A_277 : memref<128x128xf32, #tpu.memory_space<vmem>>)
    %dma_wait3A_283 = arith.constant 128 : i32
    %dma_wait3A_284 = arith.constant 0 : i32
    %dma_wait3A_285 = tpu.memref_slice %arg7[%dma_wait3A_283, %dma_wait3A_284] : memref<256x128xf32, #tpu.memory_space<vmem>> -> memref<128x128xf32, #tpu.memory_space<vmem>>
    %dma_wait3A_286 = arith.constant 384 : i32
    %dma_wait3A_287 = tpu.memref_slice %arg6[%dma_wait3A_286] : memref<512xi32, #tpu.memory_space<vmem>> -> memref<128xi32, #tpu.memory_space<vmem>>
    %dma_wait3A_288 = arith.constant 0 : i32
    %dma_wait3A_289 = arith.constant 0 : i32
    %dma_wait3A_290 = tpu.memref_slice %arg3[%dma_wait3A_288, %dma_wait3A_289] : memref<250000x128xf32, #tpu.memory_space<hbm>> -> memref<250000x128xf32, #tpu.memory_space<hbm>>
    tpu.wait_indirect_dma semaphore(%arg9 : memref<!tpu.dma_semaphore, #tpu.memory_space<semaphore_mem>>) src(%dma_wait3A_290 : memref<250000x128xf32, #tpu.memory_space<hbm>>) dst(%dma_wait3A_285 : memref<128x128xf32, #tpu.memory_space<vmem>>)
    %scan3A_291 = arith.constant 0 : i32
    %scan3A_292 = arith.constant 0 : i32
    %scan3A_293 = arith.constant 16 : i32
    %scan3A_294 = arith.addi %scan3A_292, %scan3A_293 : i32
    %scan3A_295 = arith.constant 1 : i32
    scf.for %scan3A_297 = %scan3A_292 to %scan3A_294 step %scan3A_295  : i32 {
      %mul3A_298 = arith.constant 16 : i32
      %mul3A_299 = arith.muli %scan3A_297, %mul3A_298 : i32
      %add3A_300 = vector.broadcast %mul3A_299 : i32 to vector<16xi32>
      %add3A_301 = arith.addi %iota3A, %add3A_300 : vector<16xi32>
      %mul3A_302 = arith.constant 16 : i32
      %mul3A_303 = arith.muli %scan3A_297, %mul3A_302 : i32
      %add3A_304 = arith.constant 256 : i32
      %add3A_305 = arith.addi %add3A_304, %mul3A_303 : i32
      %get3A_306 = arith.index_cast %add3A_305 : i32 to index
      %get3A_307 = tpu.vector_load %arg5[%get3A_306] {strides = array<i32>} : memref<512xi32, #tpu.memory_space<vmem>>, vector<16xi32>,
      %and3A = arith.constant 3 : i32
      %and3A_308 = vector.broadcast %and3A : i32 to vector<16xi32>
      %and3A_309 = arith.andi %get3A_307, %and3A_308 : vector<16xi32>
      %shift_left3A = arith.constant 5 : i32
      %shift_left3A_310 = vector.broadcast %shift_left3A : i32 to vector<16xi32>
      %shift_left3A_311 = arith.shli %and3A_309, %shift_left3A_310 : vector<16xi32>
      %add3A_312 = arith.constant 0 : i32
      %add3A_313 = vector.broadcast %add3A_312 : i32 to vector<16xi32>
      %add3A_314 = arith.addi %shift_left3A_311, %add3A_313 : vector<16xi32>
      %gather3A = tpu.vector_load_idx %arg7[%add3A_301, %add3A_314] : memref<256x128xf32, #tpu.memory_space<vmem>>[vector<16xi32>, vector<16xi32>], vector<16xf32>,
      %add3A_315 = arith.constant 256 : i32
      %add3A_316 = vector.broadcast %add3A_315 : i32 to vector<16xi32>
      %add3A_317 = arith.addi %add3A_301, %add3A_316 : vector<16xi32>
      %mul3A_318 = arith.constant 0 : i32
      %mul3A_319 = vector.broadcast %mul3A_318 : i32 to vector<16xi32>
      %mul3A_320 = arith.muli %iota3A, %mul3A_319 : vector<16xi32>
      %add3A_321 = arith.constant 0 : i32
      %add3A_322 = vector.broadcast %add3A_321 : i32 to vector<16xi32>
      %add3A_323 = arith.addi %mul3A_320, %add3A_322 : vector<16xi32>
      tpu.vector_store_idx %arg8[%add3A_317, %add3A_323], %gather3A : memref<512x32xf32, #tpu.memory_space<vmem>>[vector<16xi32>, vector<16xi32>], vector<16xf32>,
      %add3A_324 = arith.constant 1 : i32
      %add3A_325 = vector.broadcast %add3A_324 : i32 to vector<16xi32>
      %add3A_326 = arith.addi %shift_left3A_311, %add3A_325 : vector<16xi32>
      %gather3A_327 = tpu.vector_load_idx %arg7[%add3A_301, %add3A_326] : memref<256x128xf32, #tpu.memory_space<vmem>>[vector<16xi32>, vector<16xi32>], vector<16xf32>,
      %add3A_328 = arith.constant 256 : i32
      %add3A_329 = vector.broadcast %add3A_328 : i32 to vector<16xi32>
      %add3A_330 = arith.addi %add3A_301, %add3A_329 : vector<16xi32>
      %mul3A_331 = arith.constant 0 : i32
      %mul3A_332 = vector.broadcast %mul3A_331 : i32 to vector<16xi32>
      %mul3A_333 = arith.muli %iota3A, %mul3A_332 : vector<16xi32>
      %add3A_334 = arith.constant 1 : i32
      %add3A_335 = vector.broadcast %add3A_334 : i32 to vector<16xi32>
      %add3A_336 = arith.addi %mul3A_333, %add3A_335 : vector<16xi32>
      tpu.vector_store_idx %arg8[%add3A_330, %add3A_336], %gather3A_327 : memref<512x32xf32, #tpu.memory_space<vmem>>[vector<16xi32>, vector<16xi32>], vector<16xf32>,
      %add3A_337 = arith.constant 2 : i32
      %add3A_338 = vector.broadcast %add3A_337 : i32 to vector<16xi32>
      %add3A_339 = arith.addi %shift_left3A_311, %add3A_338 : vector<16xi32>
      %gather3A_340 = tpu.vector_load_idx %arg7[%add3A_301, %add3A_339] : memref<256x128xf32, #tpu.memory_space<vmem>>[vector<16xi32>, vector<16xi32>], vector<16xf32>,
      %add3A_341 = arith.constant 256 : i32
      %add3A_342 = vector.broadcast %add3A_341 : i32 to vector<16xi32>
      %add3A_343 = arith.addi %add3A_301, %add3A_342 : vector<16xi32>
      %mul3A_344 = arith.constant 0 : i32
      %mul3A_345 = vector.broadcast %mul3A_344 : i32 to vector<16xi32>
      %mul3A_346 = arith.muli %iota3A, %mul3A_345 : vector<16xi32>
      %add3A_347 = arith.constant 2 : i32
      %add3A_348 = vector.broadcast %add3A_347 : i32 to vector<16xi32>
      %add3A_349 = arith.addi %mul3A_346, %add3A_348 : vector<16xi32>
      tpu.vector_store_idx %arg8[%add3A_343, %add3A_349], %gather3A_340 : memref<512x32xf32, #tpu.memory_space<vmem>>[vector<16xi32>, vector<16xi32>], vector<16xf32>,
      %add3A_350 = arith.constant 3 : i32
      %add3A_351 = vector.broadcast %add3A_350 : i32 to vector<16xi32>
      %add3A_352 = arith.addi %shift_left3A_311, %add3A_351 : vector<16xi32>
      %gather3A_353 = tpu.vector_load_idx %arg7[%add3A_301, %add3A_352] : memref<256x128xf32, #tpu.memory_space<vmem>>[vector<16xi32>, vector<16xi32>], vector<16xf32>,
      %add3A_354 = arith.constant 256 : i32
      %add3A_355 = vector.broadcast %add3A_354 : i32 to vector<16xi32>
      %add3A_356 = arith.addi %add3A_301, %add3A_355 : vector<16xi32>
      %mul3A_357 = arith.constant 0 : i32
      %mul3A_358 = vector.broadcast %mul3A_357 : i32 to vector<16xi32>
      %mul3A_359 = arith.muli %iota3A, %mul3A_358 : vector<16xi32>
      %add3A_360 = arith.constant 3 : i32
      %add3A_361 = vector.broadcast %add3A_360 : i32 to vector<16xi32>
      %add3A_362 = arith.addi %mul3A_359, %add3A_361 : vector<16xi32>
      tpu.vector_store_idx %arg8[%add3A_356, %add3A_362], %gather3A_353 : memref<512x32xf32, #tpu.memory_space<vmem>>[vector<16xi32>, vector<16xi32>], vector<16xf32>,
      %add3A_363 = arith.constant 4 : i32
      %add3A_364 = vector.broadcast %add3A_363 : i32 to vector<16xi32>
      %add3A_365 = arith.addi %shift_left3A_311, %add3A_364 : vector<16xi32>
      %gather3A_366 = tpu.vector_load_idx %arg7[%add3A_301, %add3A_365] : memref<256x128xf32, #tpu.memory_space<vmem>>[vector<16xi32>, vector<16xi32>], vector<16xf32>,
      %add3A_367 = arith.constant 256 : i32
      %add3A_368 = vector.broadcast %add3A_367 : i32 to vector<16xi32>
      %add3A_369 = arith.addi %add3A_301, %add3A_368 : vector<16xi32>
      %mul3A_370 = arith.constant 0 : i32
      %mul3A_371 = vector.broadcast %mul3A_370 : i32 to vector<16xi32>
      %mul3A_372 = arith.muli %iota3A, %mul3A_371 : vector<16xi32>
      %add3A_373 = arith.constant 4 : i32
      %add3A_374 = vector.broadcast %add3A_373 : i32 to vector<16xi32>
      %add3A_375 = arith.addi %mul3A_372, %add3A_374 : vector<16xi32>
      tpu.vector_store_idx %arg8[%add3A_369, %add3A_375], %gather3A_366 : memref<512x32xf32, #tpu.memory_space<vmem>>[vector<16xi32>, vector<16xi32>], vector<16xf32>,
      %add3A_376 = arith.constant 5 : i32
      %add3A_377 = vector.broadcast %add3A_376 : i32 to vector<16xi32>
      %add3A_378 = arith.addi %shift_left3A_311, %add3A_377 : vector<16xi32>
      %gather3A_379 = tpu.vector_load_idx %arg7[%add3A_301, %add3A_378] : memref<256x128xf32, #tpu.memory_space<vmem>>[vector<16xi32>, vector<16xi32>], vector<16xf32>,
      %add3A_380 = arith.constant 256 : i32
      %add3A_381 = vector.broadcast %add3A_380 : i32 to vector<16xi32>
      %add3A_382 = arith.addi %add3A_301, %add3A_381 : vector<16xi32>
      %mul3A_383 = arith.constant 0 : i32
      %mul3A_384 = vector.broadcast %mul3A_383 : i32 to vector<16xi32>
      %mul3A_385 = arith.muli %iota3A, %mul3A_384 : vector<16xi32>
      %add3A_386 = arith.constant 5 : i32
      %add3A_387 = vector.broadcast %add3A_386 : i32 to vector<16xi32>
      %add3A_388 = arith.addi %mul3A_385, %add3A_387 : vector<16xi32>
      tpu.vector_store_idx %arg8[%add3A_382, %add3A_388], %gather3A_379 : memref<512x32xf32, #tpu.memory_space<vmem>>[vector<16xi32>, vector<16xi32>], vector<16xf32>,
      %add3A_389 = arith.constant 6 : i32
      %add3A_390 = vector.broadcast %add3A_389 : i32 to vector<16xi32>
      %add3A_391 = arith.addi %shift_left3A_311, %add3A_390 : vector<16xi32>
      %gather3A_392 = tpu.vector_load_idx %arg7[%add3A_301, %add3A_391] : memref<256x128xf32, #tpu.memory_space<vmem>>[vector<16xi32>, vector<16xi32>], vector<16xf32>,
      %add3A_393 = arith.constant 256 : i32
      %add3A_394 = vector.broadcast %add3A_393 : i32 to vector<16xi32>
      %add3A_395 = arith.addi %add3A_301, %add3A_394 : vector<16xi32>
      %mul3A_396 = arith.constant 0 : i32
      %mul3A_397 = vector.broadcast %mul3A_396 : i32 to vector<16xi32>
      %mul3A_398 = arith.muli %iota3A, %mul3A_397 : vector<16xi32>
      %add3A_399 = arith.constant 6 : i32
      %add3A_400 = vector.broadcast %add3A_399 : i32 to vector<16xi32>
      %add3A_401 = arith.addi %mul3A_398, %add3A_400 : vector<16xi32>
      tpu.vector_store_idx %arg8[%add3A_395, %add3A_401], %gather3A_392 : memref<512x32xf32, #tpu.memory_space<vmem>>[vector<16xi32>, vector<16xi32>], vector<16xf32>,
      %add3A_402 = arith.constant 7 : i32
      %add3A_403 = vector.broadcast %add3A_402 : i32 to vector<16xi32>
      %add3A_404 = arith.addi %shift_left3A_311, %add3A_403 : vector<16xi32>
      %gather3A_405 = tpu.vector_load_idx %arg7[%add3A_301, %add3A_404] : memref<256x128xf32, #tpu.memory_space<vmem>>[vector<16xi32>, vector<16xi32>], vector<16xf32>,
      %add3A_406 = arith.constant 256 : i32
      %add3A_407 = vector.broadcast %add3A_406 : i32 to vector<16xi32>
      %add3A_408 = arith.addi %add3A_301, %add3A_407 : vector<16xi32>
      %mul3A_409 = arith.constant 0 : i32
      %mul3A_410 = vector.broadcast %mul3A_409 : i32 to vector<16xi32>
      %mul3A_411 = arith.muli %iota3A, %mul3A_410 : vector<16xi32>
      %add3A_412 = arith.constant 7 : i32
      %add3A_413 = vector.broadcast %add3A_412 : i32 to vector<16xi32>
      %add3A_414 = arith.addi %mul3A_411, %add3A_413 : vector<16xi32>
      tpu.vector_store_idx %arg8[%add3A_408, %add3A_414], %gather3A_405 : memref<512x32xf32, #tpu.memory_space<vmem>>[vector<16xi32>, vector<16xi32>], vector<16xf32>,
      %add3A_415 = arith.constant 8 : i32
      %add3A_416 = vector.broadcast %add3A_415 : i32 to vector<16xi32>
      %add3A_417 = arith.addi %shift_left3A_311, %add3A_416 : vector<16xi32>
      %gather3A_418 = tpu.vector_load_idx %arg7[%add3A_301, %add3A_417] : memref<256x128xf32, #tpu.memory_space<vmem>>[vector<16xi32>, vector<16xi32>], vector<16xf32>,
      %add3A_419 = arith.constant 256 : i32
      %add3A_420 = vector.broadcast %add3A_419 : i32 to vector<16xi32>
      %add3A_421 = arith.addi %add3A_301, %add3A_420 : vector<16xi32>
      %mul3A_422 = arith.constant 0 : i32
      %mul3A_423 = vector.broadcast %mul3A_422 : i32 to vector<16xi32>
      %mul3A_424 = arith.muli %iota3A, %mul3A_423 : vector<16xi32>
      %add3A_425 = arith.constant 8 : i32
      %add3A_426 = vector.broadcast %add3A_425 : i32 to vector<16xi32>
      %add3A_427 = arith.addi %mul3A_424, %add3A_426 : vector<16xi32>
      tpu.vector_store_idx %arg8[%add3A_421, %add3A_427], %gather3A_418 : memref<512x32xf32, #tpu.memory_space<vmem>>[vector<16xi32>, vector<16xi32>], vector<16xf32>,
      %add3A_428 = arith.constant 9 : i32
      %add3A_429 = vector.broadcast %add3A_428 : i32 to vector<16xi32>
      %add3A_430 = arith.addi %shift_left3A_311, %add3A_429 : vector<16xi32>
      %gather3A_431 = tpu.vector_load_idx %arg7[%add3A_301, %add3A_430] : memref<256x128xf32, #tpu.memory_space<vmem>>[vector<16xi32>, vector<16xi32>], vector<16xf32>,
      %add3A_432 = arith.constant 256 : i32
      %add3A_433 = vector.broadcast %add3A_432 : i32 to vector<16xi32>
      %add3A_434 = arith.addi %add3A_301, %add3A_433 : vector<16xi32>
      %mul3A_435 = arith.constant 0 : i32
      %mul3A_436 = vector.broadcast %mul3A_435 : i32 to vector<16xi32>
      %mul3A_437 = arith.muli %iota3A, %mul3A_436 : vector<16xi32>
      %add3A_438 = arith.constant 9 : i32
      %add3A_439 = vector.broadcast %add3A_438 : i32 to vector<16xi32>
      %add3A_440 = arith.addi %mul3A_437, %add3A_439 : vector<16xi32>
      tpu.vector_store_idx %arg8[%add3A_434, %add3A_440], %gather3A_431 : memref<512x32xf32, #tpu.memory_space<vmem>>[vector<16xi32>, vector<16xi32>], vector<16xf32>,
      %add3A_441 = arith.constant 10 : i32
      %add3A_442 = vector.broadcast %add3A_441 : i32 to vector<16xi32>
      %add3A_443 = arith.addi %shift_left3A_311, %add3A_442 : vector<16xi32>
      %gather3A_444 = tpu.vector_load_idx %arg7[%add3A_301, %add3A_443] : memref<256x128xf32, #tpu.memory_space<vmem>>[vector<16xi32>, vector<16xi32>], vector<16xf32>,
      %add3A_445 = arith.constant 256 : i32
      %add3A_446 = vector.broadcast %add3A_445 : i32 to vector<16xi32>
      %add3A_447 = arith.addi %add3A_301, %add3A_446 : vector<16xi32>
      %mul3A_448 = arith.constant 0 : i32
      %mul3A_449 = vector.broadcast %mul3A_448 : i32 to vector<16xi32>
      %mul3A_450 = arith.muli %iota3A, %mul3A_449 : vector<16xi32>
      %add3A_451 = arith.constant 10 : i32
      %add3A_452 = vector.broadcast %add3A_451 : i32 to vector<16xi32>
      %add3A_453 = arith.addi %mul3A_450, %add3A_452 : vector<16xi32>
      tpu.vector_store_idx %arg8[%add3A_447, %add3A_453], %gather3A_444 : memref<512x32xf32, #tpu.memory_space<vmem>>[vector<16xi32>, vector<16xi32>], vector<16xf32>,
      %add3A_454 = arith.constant 11 : i32
      %add3A_455 = vector.broadcast %add3A_454 : i32 to vector<16xi32>
      %add3A_456 = arith.addi %shift_left3A_311, %add3A_455 : vector<16xi32>
      %gather3A_457 = tpu.vector_load_idx %arg7[%add3A_301, %add3A_456] : memref<256x128xf32, #tpu.memory_space<vmem>>[vector<16xi32>, vector<16xi32>], vector<16xf32>,
      %add3A_458 = arith.constant 256 : i32
      %add3A_459 = vector.broadcast %add3A_458 : i32 to vector<16xi32>
      %add3A_460 = arith.addi %add3A_301, %add3A_459 : vector<16xi32>
      %mul3A_461 = arith.constant 0 : i32
      %mul3A_462 = vector.broadcast %mul3A_461 : i32 to vector<16xi32>
      %mul3A_463 = arith.muli %iota3A, %mul3A_462 : vector<16xi32>
      %add3A_464 = arith.constant 11 : i32
      %add3A_465 = vector.broadcast %add3A_464 : i32 to vector<16xi32>
      %add3A_466 = arith.addi %mul3A_463, %add3A_465 : vector<16xi32>
      tpu.vector_store_idx %arg8[%add3A_460, %add3A_466], %gather3A_457 : memref<512x32xf32, #tpu.memory_space<vmem>>[vector<16xi32>, vector<16xi32>], vector<16xf32>,
      %add3A_467 = arith.constant 12 : i32
      %add3A_468 = vector.broadcast %add3A_467 : i32 to vector<16xi32>
      %add3A_469 = arith.addi %shift_left3A_311, %add3A_468 : vector<16xi32>
      %gather3A_470 = tpu.vector_load_idx %arg7[%add3A_301, %add3A_469] : memref<256x128xf32, #tpu.memory_space<vmem>>[vector<16xi32>, vector<16xi32>], vector<16xf32>,
      %add3A_471 = arith.constant 256 : i32
      %add3A_472 = vector.broadcast %add3A_471 : i32 to vector<16xi32>
      %add3A_473 = arith.addi %add3A_301, %add3A_472 : vector<16xi32>
      %mul3A_474 = arith.constant 0 : i32
      %mul3A_475 = vector.broadcast %mul3A_474 : i32 to vector<16xi32>
      %mul3A_476 = arith.muli %iota3A, %mul3A_475 : vector<16xi32>
      %add3A_477 = arith.constant 12 : i32
      %add3A_478 = vector.broadcast %add3A_477 : i32 to vector<16xi32>
      %add3A_479 = arith.addi %mul3A_476, %add3A_478 : vector<16xi32>
      tpu.vector_store_idx %arg8[%add3A_473, %add3A_479], %gather3A_470 : memref<512x32xf32, #tpu.memory_space<vmem>>[vector<16xi32>, vector<16xi32>], vector<16xf32>,
      %add3A_480 = arith.constant 13 : i32
      %add3A_481 = vector.broadcast %add3A_480 : i32 to vector<16xi32>
      %add3A_482 = arith.addi %shift_left3A_311, %add3A_481 : vector<16xi32>
      %gather3A_483 = tpu.vector_load_idx %arg7[%add3A_301, %add3A_482] : memref<256x128xf32, #tpu.memory_space<vmem>>[vector<16xi32>, vector<16xi32>], vector<16xf32>,
      %add3A_484 = arith.constant 256 : i32
      %add3A_485 = vector.broadcast %add3A_484 : i32 to vector<16xi32>
      %add3A_486 = arith.addi %add3A_301, %add3A_485 : vector<16xi32>
      %mul3A_487 = arith.constant 0 : i32
      %mul3A_488 = vector.broadcast %mul3A_487 : i32 to vector<16xi32>
      %mul3A_489 = arith.muli %iota3A, %mul3A_488 : vector<16xi32>
      %add3A_490 = arith.constant 13 : i32
      %add3A_491 = vector.broadcast %add3A_490 : i32 to vector<16xi32>
      %add3A_492 = arith.addi %mul3A_489, %add3A_491 : vector<16xi32>
      tpu.vector_store_idx %arg8[%add3A_486, %add3A_492], %gather3A_483 : memref<512x32xf32, #tpu.memory_space<vmem>>[vector<16xi32>, vector<16xi32>], vector<16xf32>,
      %add3A_493 = arith.constant 14 : i32
      %add3A_494 = vector.broadcast %add3A_493 : i32 to vector<16xi32>
      %add3A_495 = arith.addi %shift_left3A_311, %add3A_494 : vector<16xi32>
      %gather3A_496 = tpu.vector_load_idx %arg7[%add3A_301, %add3A_495] : memref<256x128xf32, #tpu.memory_space<vmem>>[vector<16xi32>, vector<16xi32>], vector<16xf32>,
      %add3A_497 = arith.constant 256 : i32
      %add3A_498 = vector.broadcast %add3A_497 : i32 to vector<16xi32>
      %add3A_499 = arith.addi %add3A_301, %add3A_498 : vector<16xi32>
      %mul3A_500 = arith.constant 0 : i32
      %mul3A_501 = vector.broadcast %mul3A_500 : i32 to vector<16xi32>
      %mul3A_502 = arith.muli %iota3A, %mul3A_501 : vector<16xi32>
      %add3A_503 = arith.constant 14 : i32
      %add3A_504 = vector.broadcast %add3A_503 : i32 to vector<16xi32>
      %add3A_505 = arith.addi %mul3A_502, %add3A_504 : vector<16xi32>
      tpu.vector_store_idx %arg8[%add3A_499, %add3A_505], %gather3A_496 : memref<512x32xf32, #tpu.memory_space<vmem>>[vector<16xi32>, vector<16xi32>], vector<16xf32>,
      %add3A_506 = arith.constant 15 : i32
      %add3A_507 = vector.broadcast %add3A_506 : i32 to vector<16xi32>
      %add3A_508 = arith.addi %shift_left3A_311, %add3A_507 : vector<16xi32>
      %gather3A_509 = tpu.vector_load_idx %arg7[%add3A_301, %add3A_508] : memref<256x128xf32, #tpu.memory_space<vmem>>[vector<16xi32>, vector<16xi32>], vector<16xf32>,
      %add3A_510 = arith.constant 256 : i32
      %add3A_511 = vector.broadcast %add3A_510 : i32 to vector<16xi32>
      %add3A_512 = arith.addi %add3A_301, %add3A_511 : vector<16xi32>
      %mul3A_513 = arith.constant 0 : i32
      %mul3A_514 = vector.broadcast %mul3A_513 : i32 to vector<16xi32>
      %mul3A_515 = arith.muli %iota3A, %mul3A_514 : vector<16xi32>
      %add3A_516 = arith.constant 15 : i32
      %add3A_517 = vector.broadcast %add3A_516 : i32 to vector<16xi32>
      %add3A_518 = arith.addi %mul3A_515, %add3A_517 : vector<16xi32>
      tpu.vector_store_idx %arg8[%add3A_512, %add3A_518], %gather3A_509 : memref<512x32xf32, #tpu.memory_space<vmem>>[vector<16xi32>, vector<16xi32>], vector<16xf32>,
      %add3A_519 = arith.constant 16 : i32
      %add3A_520 = vector.broadcast %add3A_519 : i32 to vector<16xi32>
      %add3A_521 = arith.addi %shift_left3A_311, %add3A_520 : vector<16xi32>
      %gather3A_522 = tpu.vector_load_idx %arg7[%add3A_301, %add3A_521] : memref<256x128xf32, #tpu.memory_space<vmem>>[vector<16xi32>, vector<16xi32>], vector<16xf32>,
      %add3A_523 = arith.constant 256 : i32
      %add3A_524 = vector.broadcast %add3A_523 : i32 to vector<16xi32>
      %add3A_525 = arith.addi %add3A_301, %add3A_524 : vector<16xi32>
      %mul3A_526 = arith.constant 0 : i32
      %mul3A_527 = vector.broadcast %mul3A_526 : i32 to vector<16xi32>
      %mul3A_528 = arith.muli %iota3A, %mul3A_527 : vector<16xi32>
      %add3A_529 = arith.constant 16 : i32
      %add3A_530 = vector.broadcast %add3A_529 : i32 to vector<16xi32>
      %add3A_531 = arith.addi %mul3A_528, %add3A_530 : vector<16xi32>
      tpu.vector_store_idx %arg8[%add3A_525, %add3A_531], %gather3A_522 : memref<512x32xf32, #tpu.memory_space<vmem>>[vector<16xi32>, vector<16xi32>], vector<16xf32>,
      %add3A_532 = arith.constant 17 : i32
      %add3A_533 = vector.broadcast %add3A_532 : i32 to vector<16xi32>
      %add3A_534 = arith.addi %shift_left3A_311, %add3A_533 : vector<16xi32>
      %gather3A_535 = tpu.vector_load_idx %arg7[%add3A_301, %add3A_534] : memref<256x128xf32, #tpu.memory_space<vmem>>[vector<16xi32>, vector<16xi32>], vector<16xf32>,
      %add3A_536 = arith.constant 256 : i32
      %add3A_537 = vector.broadcast %add3A_536 : i32 to vector<16xi32>
      %add3A_538 = arith.addi %add3A_301, %add3A_537 : vector<16xi32>
      %mul3A_539 = arith.constant 0 : i32
      %mul3A_540 = vector.broadcast %mul3A_539 : i32 to vector<16xi32>
      %mul3A_541 = arith.muli %iota3A, %mul3A_540 : vector<16xi32>
      %add3A_542 = arith.constant 17 : i32
      %add3A_543 = vector.broadcast %add3A_542 : i32 to vector<16xi32>
      %add3A_544 = arith.addi %mul3A_541, %add3A_543 : vector<16xi32>
      tpu.vector_store_idx %arg8[%add3A_538, %add3A_544], %gather3A_535 : memref<512x32xf32, #tpu.memory_space<vmem>>[vector<16xi32>, vector<16xi32>], vector<16xf32>,
      %add3A_545 = arith.constant 18 : i32
      %add3A_546 = vector.broadcast %add3A_545 : i32 to vector<16xi32>
      %add3A_547 = arith.addi %shift_left3A_311, %add3A_546 : vector<16xi32>
      %gather3A_548 = tpu.vector_load_idx %arg7[%add3A_301, %add3A_547] : memref<256x128xf32, #tpu.memory_space<vmem>>[vector<16xi32>, vector<16xi32>], vector<16xf32>,
      %add3A_549 = arith.constant 256 : i32
      %add3A_550 = vector.broadcast %add3A_549 : i32 to vector<16xi32>
      %add3A_551 = arith.addi %add3A_301, %add3A_550 : vector<16xi32>
      %mul3A_552 = arith.constant 0 : i32
      %mul3A_553 = vector.broadcast %mul3A_552 : i32 to vector<16xi32>
      %mul3A_554 = arith.muli %iota3A, %mul3A_553 : vector<16xi32>
      %add3A_555 = arith.constant 18 : i32
      %add3A_556 = vector.broadcast %add3A_555 : i32 to vector<16xi32>
      %add3A_557 = arith.addi %mul3A_554, %add3A_556 : vector<16xi32>
      tpu.vector_store_idx %arg8[%add3A_551, %add3A_557], %gather3A_548 : memref<512x32xf32, #tpu.memory_space<vmem>>[vector<16xi32>, vector<16xi32>], vector<16xf32>,
      %add3A_558 = arith.constant 19 : i32
      %add3A_559 = vector.broadcast %add3A_558 : i32 to vector<16xi32>
      %add3A_560 = arith.addi %shift_left3A_311, %add3A_559 : vector<16xi32>
      %gather3A_561 = tpu.vector_load_idx %arg7[%add3A_301, %add3A_560] : memref<256x128xf32, #tpu.memory_space<vmem>>[vector<16xi32>, vector<16xi32>], vector<16xf32>,
      %add3A_562 = arith.constant 256 : i32
      %add3A_563 = vector.broadcast %add3A_562 : i32 to vector<16xi32>
      %add3A_564 = arith.addi %add3A_301, %add3A_563 : vector<16xi32>
      %mul3A_565 = arith.constant 0 : i32
      %mul3A_566 = vector.broadcast %mul3A_565 : i32 to vector<16xi32>
      %mul3A_567 = arith.muli %iota3A, %mul3A_566 : vector<16xi32>
      %add3A_568 = arith.constant 19 : i32
      %add3A_569 = vector.broadcast %add3A_568 : i32 to vector<16xi32>
      %add3A_570 = arith.addi %mul3A_567, %add3A_569 : vector<16xi32>
      tpu.vector_store_idx %arg8[%add3A_564, %add3A_570], %gather3A_561 : memref<512x32xf32, #tpu.memory_space<vmem>>[vector<16xi32>, vector<16xi32>], vector<16xf32>,
      %add3A_571 = arith.constant 20 : i32
      %add3A_572 = vector.broadcast %add3A_571 : i32 to vector<16xi32>
      %add3A_573 = arith.addi %shift_left3A_311, %add3A_572 : vector<16xi32>
      %gather3A_574 = tpu.vector_load_idx %arg7[%add3A_301, %add3A_573] : memref<256x128xf32, #tpu.memory_space<vmem>>[vector<16xi32>, vector<16xi32>], vector<16xf32>,
      %add3A_575 = arith.constant 256 : i32
      %add3A_576 = vector.broadcast %add3A_575 : i32 to vector<16xi32>
      %add3A_577 = arith.addi %add3A_301, %add3A_576 : vector<16xi32>
      %mul3A_578 = arith.constant 0 : i32
      %mul3A_579 = vector.broadcast %mul3A_578 : i32 to vector<16xi32>
      %mul3A_580 = arith.muli %iota3A, %mul3A_579 : vector<16xi32>
      %add3A_581 = arith.constant 20 : i32
      %add3A_582 = vector.broadcast %add3A_581 : i32 to vector<16xi32>
      %add3A_583 = arith.addi %mul3A_580, %add3A_582 : vector<16xi32>
      tpu.vector_store_idx %arg8[%add3A_577, %add3A_583], %gather3A_574 : memref<512x32xf32, #tpu.memory_space<vmem>>[vector<16xi32>, vector<16xi32>], vector<16xf32>,
      %add3A_584 = arith.constant 21 : i32
      %add3A_585 = vector.broadcast %add3A_584 : i32 to vector<16xi32>
      %add3A_586 = arith.addi %shift_left3A_311, %add3A_585 : vector<16xi32>
      %gather3A_587 = tpu.vector_load_idx %arg7[%add3A_301, %add3A_586] : memref<256x128xf32, #tpu.memory_space<vmem>>[vector<16xi32>, vector<16xi32>], vector<16xf32>,
      %add3A_588 = arith.constant 256 : i32
      %add3A_589 = vector.broadcast %add3A_588 : i32 to vector<16xi32>
      %add3A_590 = arith.addi %add3A_301, %add3A_589 : vector<16xi32>
      %mul3A_591 = arith.constant 0 : i32
      %mul3A_592 = vector.broadcast %mul3A_591 : i32 to vector<16xi32>
      %mul3A_593 = arith.muli %iota3A, %mul3A_592 : vector<16xi32>
      %add3A_594 = arith.constant 21 : i32
      %add3A_595 = vector.broadcast %add3A_594 : i32 to vector<16xi32>
      %add3A_596 = arith.addi %mul3A_593, %add3A_595 : vector<16xi32>
      tpu.vector_store_idx %arg8[%add3A_590, %add3A_596], %gather3A_587 : memref<512x32xf32, #tpu.memory_space<vmem>>[vector<16xi32>, vector<16xi32>], vector<16xf32>,
      %add3A_597 = arith.constant 22 : i32
      %add3A_598 = vector.broadcast %add3A_597 : i32 to vector<16xi32>
      %add3A_599 = arith.addi %shift_left3A_311, %add3A_598 : vector<16xi32>
      %gather3A_600 = tpu.vector_load_idx %arg7[%add3A_301, %add3A_599] : memref<256x128xf32, #tpu.memory_space<vmem>>[vector<16xi32>, vector<16xi32>], vector<16xf32>,
      %add3A_601 = arith.constant 256 : i32
      %add3A_602 = vector.broadcast %add3A_601 : i32 to vector<16xi32>
      %add3A_603 = arith.addi %add3A_301, %add3A_602 : vector<16xi32>
      %mul3A_604 = arith.constant 0 : i32
      %mul3A_605 = vector.broadcast %mul3A_604 : i32 to vector<16xi32>
      %mul3A_606 = arith.muli %iota3A, %mul3A_605 : vector<16xi32>
      %add3A_607 = arith.constant 22 : i32
      %add3A_608 = vector.broadcast %add3A_607 : i32 to vector<16xi32>
      %add3A_609 = arith.addi %mul3A_606, %add3A_608 : vector<16xi32>
      tpu.vector_store_idx %arg8[%add3A_603, %add3A_609], %gather3A_600 : memref<512x32xf32, #tpu.memory_space<vmem>>[vector<16xi32>, vector<16xi32>], vector<16xf32>,
      %add3A_610 = arith.constant 23 : i32
      %add3A_611 = vector.broadcast %add3A_610 : i32 to vector<16xi32>
      %add3A_612 = arith.addi %shift_left3A_311, %add3A_611 : vector<16xi32>
      %gather3A_613 = tpu.vector_load_idx %arg7[%add3A_301, %add3A_612] : memref<256x128xf32, #tpu.memory_space<vmem>>[vector<16xi32>, vector<16xi32>], vector<16xf32>,
      %add3A_614 = arith.constant 256 : i32
      %add3A_615 = vector.broadcast %add3A_614 : i32 to vector<16xi32>
      %add3A_616 = arith.addi %add3A_301, %add3A_615 : vector<16xi32>
      %mul3A_617 = arith.constant 0 : i32
      %mul3A_618 = vector.broadcast %mul3A_617 : i32 to vector<16xi32>
      %mul3A_619 = arith.muli %iota3A, %mul3A_618 : vector<16xi32>
      %add3A_620 = arith.constant 23 : i32
      %add3A_621 = vector.broadcast %add3A_620 : i32 to vector<16xi32>
      %add3A_622 = arith.addi %mul3A_619, %add3A_621 : vector<16xi32>
      tpu.vector_store_idx %arg8[%add3A_616, %add3A_622], %gather3A_613 : memref<512x32xf32, #tpu.memory_space<vmem>>[vector<16xi32>, vector<16xi32>], vector<16xf32>,
      %add3A_623 = arith.constant 24 : i32
      %add3A_624 = vector.broadcast %add3A_623 : i32 to vector<16xi32>
      %add3A_625 = arith.addi %shift_left3A_311, %add3A_624 : vector<16xi32>
      %gather3A_626 = tpu.vector_load_idx %arg7[%add3A_301, %add3A_625] : memref<256x128xf32, #tpu.memory_space<vmem>>[vector<16xi32>, vector<16xi32>], vector<16xf32>,
      %add3A_627 = arith.constant 256 : i32
      %add3A_628 = vector.broadcast %add3A_627 : i32 to vector<16xi32>
      %add3A_629 = arith.addi %add3A_301, %add3A_628 : vector<16xi32>
      %mul3A_630 = arith.constant 0 : i32
      %mul3A_631 = vector.broadcast %mul3A_630 : i32 to vector<16xi32>
      %mul3A_632 = arith.muli %iota3A, %mul3A_631 : vector<16xi32>
      %add3A_633 = arith.constant 24 : i32
      %add3A_634 = vector.broadcast %add3A_633 : i32 to vector<16xi32>
      %add3A_635 = arith.addi %mul3A_632, %add3A_634 : vector<16xi32>
      tpu.vector_store_idx %arg8[%add3A_629, %add3A_635], %gather3A_626 : memref<512x32xf32, #tpu.memory_space<vmem>>[vector<16xi32>, vector<16xi32>], vector<16xf32>,
      %add3A_636 = arith.constant 25 : i32
      %add3A_637 = vector.broadcast %add3A_636 : i32 to vector<16xi32>
      %add3A_638 = arith.addi %shift_left3A_311, %add3A_637 : vector<16xi32>
      %gather3A_639 = tpu.vector_load_idx %arg7[%add3A_301, %add3A_638] : memref<256x128xf32, #tpu.memory_space<vmem>>[vector<16xi32>, vector<16xi32>], vector<16xf32>,
      %add3A_640 = arith.constant 256 : i32
      %add3A_641 = vector.broadcast %add3A_640 : i32 to vector<16xi32>
      %add3A_642 = arith.addi %add3A_301, %add3A_641 : vector<16xi32>
      %mul3A_643 = arith.constant 0 : i32
      %mul3A_644 = vector.broadcast %mul3A_643 : i32 to vector<16xi32>
      %mul3A_645 = arith.muli %iota3A, %mul3A_644 : vector<16xi32>
      %add3A_646 = arith.constant 25 : i32
      %add3A_647 = vector.broadcast %add3A_646 : i32 to vector<16xi32>
      %add3A_648 = arith.addi %mul3A_645, %add3A_647 : vector<16xi32>
      tpu.vector_store_idx %arg8[%add3A_642, %add3A_648], %gather3A_639 : memref<512x32xf32, #tpu.memory_space<vmem>>[vector<16xi32>, vector<16xi32>], vector<16xf32>,
      %add3A_649 = arith.constant 26 : i32
      %add3A_650 = vector.broadcast %add3A_649 : i32 to vector<16xi32>
      %add3A_651 = arith.addi %shift_left3A_311, %add3A_650 : vector<16xi32>
      %gather3A_652 = tpu.vector_load_idx %arg7[%add3A_301, %add3A_651] : memref<256x128xf32, #tpu.memory_space<vmem>>[vector<16xi32>, vector<16xi32>], vector<16xf32>,
      %add3A_653 = arith.constant 256 : i32
      %add3A_654 = vector.broadcast %add3A_653 : i32 to vector<16xi32>
      %add3A_655 = arith.addi %add3A_301, %add3A_654 : vector<16xi32>
      %mul3A_656 = arith.constant 0 : i32
      %mul3A_657 = vector.broadcast %mul3A_656 : i32 to vector<16xi32>
      %mul3A_658 = arith.muli %iota3A, %mul3A_657 : vector<16xi32>
      %add3A_659 = arith.constant 26 : i32
      %add3A_660 = vector.broadcast %add3A_659 : i32 to vector<16xi32>
      %add3A_661 = arith.addi %mul3A_658, %add3A_660 : vector<16xi32>
      tpu.vector_store_idx %arg8[%add3A_655, %add3A_661], %gather3A_652 : memref<512x32xf32, #tpu.memory_space<vmem>>[vector<16xi32>, vector<16xi32>], vector<16xf32>,
      %add3A_662 = arith.constant 27 : i32
      %add3A_663 = vector.broadcast %add3A_662 : i32 to vector<16xi32>
      %add3A_664 = arith.addi %shift_left3A_311, %add3A_663 : vector<16xi32>
      %gather3A_665 = tpu.vector_load_idx %arg7[%add3A_301, %add3A_664] : memref<256x128xf32, #tpu.memory_space<vmem>>[vector<16xi32>, vector<16xi32>], vector<16xf32>,
      %add3A_666 = arith.constant 256 : i32
      %add3A_667 = vector.broadcast %add3A_666 : i32 to vector<16xi32>
      %add3A_668 = arith.addi %add3A_301, %add3A_667 : vector<16xi32>
      %mul3A_669 = arith.constant 0 : i32
      %mul3A_670 = vector.broadcast %mul3A_669 : i32 to vector<16xi32>
      %mul3A_671 = arith.muli %iota3A, %mul3A_670 : vector<16xi32>
      %add3A_672 = arith.constant 27 : i32
      %add3A_673 = vector.broadcast %add3A_672 : i32 to vector<16xi32>
      %add3A_674 = arith.addi %mul3A_671, %add3A_673 : vector<16xi32>
      tpu.vector_store_idx %arg8[%add3A_668, %add3A_674], %gather3A_665 : memref<512x32xf32, #tpu.memory_space<vmem>>[vector<16xi32>, vector<16xi32>], vector<16xf32>,
      %add3A_675 = arith.constant 28 : i32
      %add3A_676 = vector.broadcast %add3A_675 : i32 to vector<16xi32>
      %add3A_677 = arith.addi %shift_left3A_311, %add3A_676 : vector<16xi32>
      %gather3A_678 = tpu.vector_load_idx %arg7[%add3A_301, %add3A_677] : memref<256x128xf32, #tpu.memory_space<vmem>>[vector<16xi32>, vector<16xi32>], vector<16xf32>,
      %add3A_679 = arith.constant 256 : i32
      %add3A_680 = vector.broadcast %add3A_679 : i32 to vector<16xi32>
      %add3A_681 = arith.addi %add3A_301, %add3A_680 : vector<16xi32>
      %mul3A_682 = arith.constant 0 : i32
      %mul3A_683 = vector.broadcast %mul3A_682 : i32 to vector<16xi32>
      %mul3A_684 = arith.muli %iota3A, %mul3A_683 : vector<16xi32>
      %add3A_685 = arith.constant 28 : i32
      %add3A_686 = vector.broadcast %add3A_685 : i32 to vector<16xi32>
      %add3A_687 = arith.addi %mul3A_684, %add3A_686 : vector<16xi32>
      tpu.vector_store_idx %arg8[%add3A_681, %add3A_687], %gather3A_678 : memref<512x32xf32, #tpu.memory_space<vmem>>[vector<16xi32>, vector<16xi32>], vector<16xf32>,
      %add3A_688 = arith.constant 29 : i32
      %add3A_689 = vector.broadcast %add3A_688 : i32 to vector<16xi32>
      %add3A_690 = arith.addi %shift_left3A_311, %add3A_689 : vector<16xi32>
      %gather3A_691 = tpu.vector_load_idx %arg7[%add3A_301, %add3A_690] : memref<256x128xf32, #tpu.memory_space<vmem>>[vector<16xi32>, vector<16xi32>], vector<16xf32>,
      %add3A_692 = arith.constant 256 : i32
      %add3A_693 = vector.broadcast %add3A_692 : i32 to vector<16xi32>
      %add3A_694 = arith.addi %add3A_301, %add3A_693 : vector<16xi32>
      %mul3A_695 = arith.constant 0 : i32
      %mul3A_696 = vector.broadcast %mul3A_695 : i32 to vector<16xi32>
      %mul3A_697 = arith.muli %iota3A, %mul3A_696 : vector<16xi32>
      %add3A_698 = arith.constant 29 : i32
      %add3A_699 = vector.broadcast %add3A_698 : i32 to vector<16xi32>
      %add3A_700 = arith.addi %mul3A_697, %add3A_699 : vector<16xi32>
      tpu.vector_store_idx %arg8[%add3A_694, %add3A_700], %gather3A_691 : memref<512x32xf32, #tpu.memory_space<vmem>>[vector<16xi32>, vector<16xi32>], vector<16xf32>,
      %add3A_701 = arith.constant 30 : i32
      %add3A_702 = vector.broadcast %add3A_701 : i32 to vector<16xi32>
      %add3A_703 = arith.addi %shift_left3A_311, %add3A_702 : vector<16xi32>
      %gather3A_704 = tpu.vector_load_idx %arg7[%add3A_301, %add3A_703] : memref<256x128xf32, #tpu.memory_space<vmem>>[vector<16xi32>, vector<16xi32>], vector<16xf32>,
      %add3A_705 = arith.constant 256 : i32
      %add3A_706 = vector.broadcast %add3A_705 : i32 to vector<16xi32>
      %add3A_707 = arith.addi %add3A_301, %add3A_706 : vector<16xi32>
      %mul3A_708 = arith.constant 0 : i32
      %mul3A_709 = vector.broadcast %mul3A_708 : i32 to vector<16xi32>
      %mul3A_710 = arith.muli %iota3A, %mul3A_709 : vector<16xi32>
      %add3A_711 = arith.constant 30 : i32
      %add3A_712 = vector.broadcast %add3A_711 : i32 to vector<16xi32>
      %add3A_713 = arith.addi %mul3A_710, %add3A_712 : vector<16xi32>
      tpu.vector_store_idx %arg8[%add3A_707, %add3A_713], %gather3A_704 : memref<512x32xf32, #tpu.memory_space<vmem>>[vector<16xi32>, vector<16xi32>], vector<16xf32>,
      %add3A_714 = arith.constant 31 : i32
      %add3A_715 = vector.broadcast %add3A_714 : i32 to vector<16xi32>
      %add3A_716 = arith.addi %shift_left3A_311, %add3A_715 : vector<16xi32>
      %gather3A_717 = tpu.vector_load_idx %arg7[%add3A_301, %add3A_716] : memref<256x128xf32, #tpu.memory_space<vmem>>[vector<16xi32>, vector<16xi32>], vector<16xf32>,
      %add3A_718 = arith.constant 256 : i32
      %add3A_719 = vector.broadcast %add3A_718 : i32 to vector<16xi32>
      %add3A_720 = arith.addi %add3A_301, %add3A_719 : vector<16xi32>
      %mul3A_721 = arith.constant 0 : i32
      %mul3A_722 = vector.broadcast %mul3A_721 : i32 to vector<16xi32>
      %mul3A_723 = arith.muli %iota3A, %mul3A_722 : vector<16xi32>
      %add3A_724 = arith.constant 31 : i32
      %add3A_725 = vector.broadcast %add3A_724 : i32 to vector<16xi32>
      %add3A_726 = arith.addi %mul3A_723, %add3A_725 : vector<16xi32>
      tpu.vector_store_idx %arg8[%add3A_720, %add3A_726], %gather3A_717 : memref<512x32xf32, #tpu.memory_space<vmem>>[vector<16xi32>, vector<16xi32>], vector<16xf32>,
    }
    %scan3A_296 = arith.constant 16 : i32
    "tpu.region"() ({
      %run_scoped3A = tpu.sem_alloc : memref<!tpu.dma_semaphore, #tpu.memory_space<semaphore_mem>>
      %dma_start3A_297 = arith.constant 0 : i32
      %dma_start3A_298 = tpu.memref_slice %arg4[%mul3A_2, %dma_start3A_297] : memref<16384x32xf32, #tpu.memory_space<hbm>> -> memref<512x32xf32, #tpu.memory_space<hbm>>
      %dma_start3A_299 = arith.constant 0 : i32
      %dma_start3A_300 = tpu.memref_slice %arg4[%mul3A_2, %dma_start3A_299] : memref<16384x32xf32, #tpu.memory_space<hbm>> -> memref<512x32xf32, #tpu.memory_space<hbm>>
      tpu.enqueue_dma source(%arg8 : memref<512x32xf32, #tpu.memory_space<vmem>>) target(%dma_start3A_300 : memref<512x32xf32, #tpu.memory_space<hbm>>) target_semaphore(%run_scoped3A : memref<!tpu.dma_semaphore, #tpu.memory_space<semaphore_mem>>)
      %dma_wait3A_301 = arith.constant 0 : i32
      %dma_wait3A_302 = tpu.memref_slice %arg4[%mul3A_2, %dma_wait3A_301] : memref<16384x32xf32, #tpu.memory_space<hbm>> -> memref<512x32xf32, #tpu.memory_space<hbm>>
      %dma_wait3A_303 = arith.constant 0 : i32
      %dma_wait3A_304 = tpu.memref_slice %arg4[%mul3A_2, %dma_wait3A_303] : memref<16384x32xf32, #tpu.memory_space<hbm>> -> memref<512x32xf32, #tpu.memory_space<hbm>>
      tpu.wait_dma2 semaphore(%run_scoped3A : memref<!tpu.dma_semaphore, #tpu.memory_space<semaphore_mem>>) src(%arg8 : memref<512x32xf32, #tpu.memory_space<vmem>>) dst(%dma_wait3A_304 : memref<512x32xf32, #tpu.memory_space<hbm>>)
      tpu.yield
    }) : () -> ()
    return
  }
}

</mosaic_0001>

<sc_bundles>
// kernel: kernel.3.cloned.1.call-start
scs
__scs_entry_jumppad:
0x0: {  	(pc) =	sbr.rel $0x88, $3  }
0x1: {  	(tag) =	ssettag $0x0;
	lr =	simm.s32 $0x1  }
0x2: {  	[smem:$0x3F9F] =	sst lr;
	_ =	strace $0xD0000000  }
0x3: {  	_ = 	snop  }
0x4: {  	_ = 	snop  }
0x5: {  	_ = 	snop  }
0x6: {  	_ = 	snop  }
0x7: {  	_ = 	snop  }
__scs_overlays_trampoline_lowered:
0x8: {  	[smem:$0x3FAE] =	sst s0  }
0x9: {  	[smem:$0x3FAF] =	sst s1  }
0xa: {  	[smem:$0x3FB0] =	sst s2  }
0xb: {  	[smem:$0x3FB1] =	sst s3  }
0xc: {  	[smem:$0x3FB2] =	sst s4  }
0xd: {  	[smem:$0x3FB3] =	sst s5  }
0xe: {  	[smem:$0x3FB4] =	sst s6  }
0xf: {  	[smem:$0x3FB5] =	sst s7  }
0x10: {  	[smem:$0x3FB6] =	sst s8  }
0x11: {  	[smem:$0x3FB7] =	sst s9;
	s0 =	simm.s32 @!p0 $0x0  }
0x12: {  	s1 =	sld [smem:$0x3F9D];
	s0 =	simm.s32 @p0 $0x1  }
0x13: {  	[smem:$0x3FB8] =	sst s0;
	s0 =	simm.s32 @!p1 $0x0  }
0x14: {  	s2 =	sld [smem:$0x3F9C];
	s0 =	simm.s32 @p1 $0x1  }
0x15: {  	[smem:$0x3FB9] =	sst s0;
	s0 =	simm.s32 @!p2 $0x0  }
0x16: {  	s3 =	sld [smem:$0x3FDB];
	s0 =	simm.s32 @p2 $0x1  }
0x17: {  	s4 =	simm.s32 $0x1BF5;
	[smem:$0x3FBB] =	sst s0  }
0x18: {  	s0 =	sld [smem:$0x3F9E];
	_ =	swait.ge [sflag:s4], $0x0  }
0x19: {  	s7 =	sld [smem:$0x3F9F]  }
0x1a: {  	s8 =	sadd.s32 $0xFFFFE003, lr  }
0x1b: {  	s9 =	sadd.s32 $0xFFFFFEF7, lr;
	s5 =	simm.s32 $0xFFFFFFFF;
	p2 =	slt.u32 s8, $0xFFFFF086  }
0x1c: {  	p1 =	slt.u32 s9, $0xF7A;
	s5 =	simm.s32 @!p2 $0x0  }
0x1d: {  	s5 =	simm.s32 @p1 $0x1;
	p0 =	seq.s32 s7, s2  }
0x1e: {  	s7 =	smul.u32 @!p0 $0xF7A, s2;
	p2 =	seq.s32 @!p0 s5, $0x0  }
0x1f: {  	s9 =	smul.u32 $0xF7A, s1;
	s8 =	simm.s32 @!p0 $0x1BF5;
	p2 =	por !p2, p0  }
0x20: {  	[sflag:s8] =	ssyncset.s32 @!p0 $0xFFFFF086;
	s6 =	sadd.s32 @!p0 s3, s7;
	s7 =	simm.s32 @!p0 $0x108  }
0x21: {  	s3 =	sadd.s32 s3, s9;
	s6 =	sadd.s32 @!p0 $0x88, s6;
	s7 =	simm.s32 @p2 $0x1082  }
0x22: {  	[simem:s7], [sflag:s8] =	dma.local @!p0 [hbm:s6], $0xF7A  }
0x23: {  	s9 =	sor.u32 $0xD0000000, s2;
	s6 =	simm.s32 $0x108;
	_ =	swait.ge @!p0 [sflag:s8], $0x0  }
0x24: {  	s3 =	sadd.s32 $0x88, s3;
	s6 =	simm.s32 @!p1 $0x1082;
	[sflag:s4] =	ssyncset.s32 $0xFFFFF086  }
0x25: {  	[simem:s6], [sflag:s4] =	dma.local [hbm:s3], $0xF7A  }
0x26: {  	[smem:$0x3F9F] =	sst s1;
	(tag) =	ssettag s2;
	_ =	strace s9  }
0x27: {  	s1 =	sld [smem:$0x3FAF]  }
0x28: {  	s2 =	sld [smem:$0x3FB0]  }
0x29: {  	s4 =	sld [smem:$0x3FB2]  }
0x2a: {  	p0 =	seq.s32 s5, $0x0;
	s5 =	sld [smem:$0x3FB3]  }
0x2b: {  	s6 =	sld [smem:$0x3FB4]  }
0x2c: {  	s7 =	sld [smem:$0x3FB5]  }
0x2d: {  	s3 =	simm.s32 $0x108;
	s8 =	sld [smem:$0x3FB6]  }
0x2e: {  	s3 =	simm.s32 @!p0 $0x1082;
	s9 =	sld [smem:$0x3FB7]  }
0x2f: {  	lr =	sadd.s32 s0, s3;
	s0 =	sld [smem:$0x3FAE]  }
0x30: {  	s3 =	sld [smem:$0x3FB1]  }
0x31: {  	[smem:$0x3FBA] =	sst s10  }
0x32: {  	s10 =	sld [smem:$0x3FB8];
	_ =	sdelay $0x3  }
0x33: {  	p0 =	seq.s32 s10, $0x1;
	s10 =	sld [smem:$0x3FBA];
	_ =	sdelay $0x3  }
0x34: {  	[smem:$0x3FBA] =	sst s10  }
0x35: {  	s10 =	sld [smem:$0x3FB9];
	_ =	sdelay $0x3  }
0x36: {  	p1 =	seq.s32 s10, $0x1;
	s10 =	sld [smem:$0x3FBA];
	_ =	sdelay $0x3  }
0x37: {  	[smem:$0x3FBA] =	sst s10  }
0x38: {  	s10 =	sld [smem:$0x3FBB]  }
0x39: {  	_ = 	snop;
	(pc) =	sbr.ind lr, $3  }
0x3a: {  	_ = 	snop  }
0x3b: {  	_ = 	snop  }
0x3c: {  	p2 =	seq.s32 s10, $0x1;
	s10 =	sld [smem:$0x3FBA]  }
0x3d: {  	_ =	shalt  }
0x3e: {  	_ =	shalt  }
0x3f: {  	_ =	shalt  }
0x40: {  	_ =	shalt  }
0x41: {  	_ =	shalt  }
0x42: {  	_ =	shalt  }
0x43: {  	_ =	shalt  }
0x44: {  	_ =	shalt  }
0x45: {  	_ =	shalt  }
0x46: {  	_ =	shalt  }
0x47: {  	_ =	shalt  }
0x48: {  	_ =	shalt  }
0x49: {  	_ =	shalt  }
0x4a: {  	_ =	shalt  }
0x4b: {  	_ =	shalt  }
0x4c: {  	_ =	shalt  }
0x4d: {  	_ =	shalt  }
0x4e: {  	_ =	shalt  }
0x4f: {  	_ =	shalt  }
0x50: {  	_ =	shalt  }
0x51: {  	_ =	shalt  }
0x52: {  	_ =	shalt  }
0x53: {  	_ =	shalt  }
0x54: {  	_ =	shalt  }
0x55: {  	_ =	shalt  }
0x56: {  	_ =	shalt  }
0x57: {  	_ =	shalt  }
0x58: {  	_ =	shalt  }
0x59: {  	_ =	shalt  }
0x5a: {  	_ =	shalt  }
0x5b: {  	_ =	shalt  }
0x5c: {  	_ =	shalt  }
0x5d: {  	_ =	shalt  }
0x5e: {  	_ =	shalt  }
0x5f: {  	_ =	shalt  }
0x60: {  	_ =	shalt  }
0x61: {  	_ =	shalt  }
0x62: {  	_ =	shalt  }
0x63: {  	_ =	shalt  }
0x64: {  	_ =	shalt  }
0x65: {  	_ =	shalt  }
0x66: {  	_ =	shalt  }
0x67: {  	_ =	shalt  }
0x68: {  	_ =	shalt  }
0x69: {  	_ =	shalt  }
0x6a: {  	_ =	shalt  }
0x6b: {  	_ =	shalt  }
0x6c: {  	_ =	shalt  }
0x6d: {  	_ =	shalt  }
0x6e: {  	_ =	shalt  }
0x6f: {  	_ =	shalt  }
0x70: {  	_ =	shalt  }
0x71: {  	_ =	shalt  }
0x72: {  	_ =	shalt  }
0x73: {  	_ =	shalt  }
0x74: {  	_ =	shalt  }
0x75: {  	_ =	shalt  }
0x76: {  	_ =	shalt  }
0x77: {  	_ =	shalt  }
0x78: {  	_ =	shalt  }
0x79: {  	_ =	shalt  }
0x7a: {  	_ =	shalt  }
0x7b: {  	_ =	shalt  }
0x7c: {  	_ =	shalt  }
0x7d: {  	_ =	shalt  }
0x7e: {  	_ =	shalt  }
0x7f: {  	_ =	shalt  }
0x80: {  	_ =	shalt  }
0x81: {  	_ =	shalt  }
0x82: {  	_ =	shalt  }
0x83: {  	_ =	shalt  }
0x84: {  	_ =	shalt  }
0x85: {  	_ =	shalt  }
0x86: {  	_ =	shalt  }
0x87: {  	_ =	shalt  }
.Lfunc_end0:
.L_simem_size_0:
called_computation_lowered:
.L_overlay_start_0:
0x88: {  	s2 =	sld [smem:$0x3FD9]  }
0x89: {  	s3 =	sld [smem:$0x3FFE];
	_ =	sdelay $0x1  }
0x8a: {  	s1 =	srdreg.scid  }
0x8b: {  	s0 =	sand.u32 $0x1, s1  }
0x8c: {  	s17 =	sshll.u32 s0, $0xA;
	s2 =	sadd.s32 s3, s2  }
0x8d: {  	s2 =	sadd.s32 s2, s17  }
0x8e: {  	[smem:$0x3FC6] =	sst s2  }
0x8f: {  	_ = 	snop  }
0x90: {  	s2 =	sld [smem:$0x3FC9];
	(tm) =	ssettm $0x1  }
0x91: {  	s18 =	sld [smem:$0x3FFB];
	_ =	sdelay $0x3  }
0x92: {  	_ =	strace s18  }
0x93: {  	s3 =	sld [smem:$0x3FFC];
	_ =	sdelay $0x3  }
0x94: {  	_ =	strace s3  }
0x95: {  	s3 =	sld [smem:$0x3FFD];
	_ =	sdelay $0x3  }
0x96: {  	_ =	strace s3  }
0x97: {  	_ =	strace $0x8FFFFFFF  }
0x98: {  	s19 =	sld [smem:$0x3FDB];
	_ =	sdelay $0x1  }
0x99: {  	s4 =	simm.s32 $_scs_section_size  }
0x9a: {  	s5 =	simm.s32 $_size__tile_overlayer_lowered;
	s6 =	simm.s32 $_tile_overlayer_lowered  }
0x9b: {  	s22 =	simm.s32 $0x1BFF;
	s21 =	sshll.u32 s6, $0x1;
	s3 =	sadd.s32 s4, s19  }
0x9c: {  	s7 =	simm.s32 $0x0;
	s20 =	sshll.u32 s5, $0x1;
	s5 =	sadd.s32 s21, s3  }
0x9d: {  	[timem:s7], [sflag:s22] =	dma.local [hbm:s5], s20  }
0x9e: {  	_ =	swait.ge [sflag:s22], s20  }
0x9f: {  	s4 =	ssub.s32 $0x0, s20;
	[sflag:s22] =	ssyncset.done $0x0  }
0xa0: {  	[sflag:s22] =	ssyncadd.s32 s4;
	_ =	sdelay $0x1  }
0xa1: {  	s23 =	simm.s32 $0x1B8B  }
0xa2: {  	_ =	swait.ge [sflag:s23], $0x1  }
0xa3: {  	[sflag:s23] =	ssyncset.done $0x0  }
0xa4: {  	s25 =	simm.s32 $0x1B8E;
	s24 =	sld [smem:$0x3FFE];
	[sflag:s23] =	ssyncadd.s32 $0xFFFFFFFF  }
0xa5: {  	s26 =	simm.s32 $execute0_lowered;
	[smem:$0x3FD2] =	sst s25  }
0xa6: {  	s5 =	sshll.u32 s26, $0x1;
	_ =	strace $0x80000046;
	[dreg:$0x1] =	wrdreg $0xFFFFFFFF  }
0xa7: {  	s28 =	simm.s32 $_size_execute0_lowered;
	s3 =	sadd.s32 s3, s5;
	[dreg:$0x0] =	wrdreg $0x0  }
0xa8: {  	s5 =	sshll.u32 s28, $0x1;
	[dreg:$0x2] =	wrdreg s3  }
0xa9: {  	[dreg:$0x3] =	wrdreg s5  }
0xaa: {  	[dreg:$0x4] =	wrdreg $0xC0  }
0xab: {  	_ =	task [dreg:s7], $0x5FFFF  }
0xac: {  	[dreg:$0x1] =	wrdreg $0xFFFFFFFF  }
0xad: {  	[dreg:$0x0] =	wrdreg $0x60  }
0xae: {  	[dreg:$0x2] =	wrdreg s2  }
0xaf: {  	[dreg:$0x3] =	wrdreg s24  }
0xb0: {  	[dreg:$0x4] =	wrdreg $0x9  }
0xb1: {  	_ =	task.clear_ibuf [dreg:s7], $0x5FFFF;
	_ =	strace $0x90000046  }
0xb2: {  	s29 =	simm.s32 $0x9;
	_ =	strace $0x80000048  }
0xb3: {  	_ =	swait.ge [sflag:s29], $0x1  }
0xb4: {  	[sflag:s29] =	ssyncadd.s32 $0xFFFFFFFF  }
0xb5: {  	_ =	strace $0x90000048  }
0xb6: {  	_ =	sfence  }
0xb7: {  	s30 =	sld [smem:$0x0];
	_ =	sdelay $0x2  }
0xb8: {  	s31 =	sshll.u32 s1, $0xD;
	s1 =	sshrl.u32 s1, $0x2  }
0xb9: {  	s3 =	sand.u32 $0x4000, s31;
	s1 =	sadd.s32 s1, s30  }
0xba: {  	s0 =	sor.u32 s3, s0;
	s1 =	sshll.u32 s1, $0x11  }
0xbb: {  	s0 =	sor.u32 s1, s0  }
0xbc: {  	s0 =	sadd.s32 $0x8F2B, s0  }
0xbd: {  	[sflag:s0] =	ssyncadd.remote.s32 $0x1  }
0xbe: {  	_ =	sfence.sel $0xFFFF  }
0xbf: {  	[dreg:$0x0] =	wrdreg $0xFFFFFFFF;
	(pc) =	sbr.abs _section_cstart, $3  }
0xc0: {  	[dreg:$0x1] =	wrdreg $0xFFFFFFFF  }
0xc1: {  	_ =	task.clear_ibuf [dreg:s7], $0x2FFFF;
	_ =	strace $0x9FFFFFFF  }
0xc2: {  	(tm) =	ssettm $0x7FFFFFFF  }
0xc3: {  	_ =	shalt  }
tec
execute0_lowered:
.L_overlay_start_1:
0x0: {  	(tag) =	ssettag $0x1  }
0x1: {  	s4 =	rddreg [dreg:$0x0]  }
0x2: {  	s5 =	rddreg [dreg:$0x1]  }
0x3: {  	s0 =	rddreg [dreg:$0x2]  }
0x4: {  	s3 =	srdreg.scid;
	s2 =	simm.s32 $0x0;
	s1 =	stileid.u32  }
0x5: {  	s9 =	simm.s32 $0x200;
	s10 =	simm.s32 $0x400;
	s11 =	simm.s32 $0x280  }
0x6: {  	s12 =	simm.s32 $0x4400;
	s13 =	simm.s32 $0x1;
	s14 =	simm.s32 $0x8400  }
0x7: {  	s15 =	simm.s32 $0x300;
	s16 =	simm.s32 $0x380;
	s17 =	simm.s32 $0x0  }
0x8: {  	s6 =	sand.u32 $0x1, s3;
	[smem:$0x7FF] =	sst s2;
	s30 =	sshll.u32 s1, $0xA  }
0x9: {  	s3 =	sadd.s32 $0xF42800, s5;
	s7 =	sshll.u32 s6, $0x9;
	s6 =	ssub.s32 $0x2, s6  }
0xa: {  	v0 =	vlaneseq.u32;
	_ =	strace $0x80000047;
	s7 =	sor.u32 s7, s30;
	s31 =	sshrl.u32 s6, $0x1  }
0xb: {  	v0 =	vmul.u32 $0x80, v0;
	s8 =	sshll.u32 s7, $0x4;
	s7 =	sshrl.u32 s7, $0x3;
	s6 =	ssub.s32 s6, s31  }
0xc: {  	s5 =	sadd.s32 s8, s5;
	s4 =	sadd.s32 s4, s7;
	s6 =	smax.u32 s6, $0x1  }
0xd: {  	v1 =	vor.u32 $0x8000, v0;
	s7 =	simm.s32 $0x2;
	s8 =	simm.s32 $0x80;
	s5 =	sadd.s32 $0x400, s5  }
.LBB2_1:
0xe: {  	[tilespmem:s2], [sflag:$0x2] =	stream.linear.gather [hbm4b:s4+s2], $0x200, $0x38;
	[tilespmem:$0x18400] =	vst v63  }
0xf: {  	_ =	swait.ge [sflag:s7], $0x200  }
0x10: {  	[sflag:s7] =	ssyncset.done $0x0  }
0x11: {  	[sflag:s7] =	ssyncadd.s32 $0xFFFFFE00  }
0x12: {  	v2 =	vld [tilespmem:$0x0]  }
0x13: {  	v3 =	vld [tilespmem:$0x10]  }
0x14: {  	v4 =	vld [tilespmem:$0x20]  }
0x15: {  	v5 =	vld [tilespmem:$0x30]  }
0x16: {  	v6 =	vld [tilespmem:$0x40]  }
0x17: {  	v7 =	vld [tilespmem:$0x50];
	v2 =	vshrl.u32 v2, $0x2  }
0x18: {  	[tilespmem:$0x200] =	vst v2;
	v2 =	vshrl.u32 v3, $0x2;
	v3 =	vld [tilespmem:$0x60]  }
0x19: {  	[tilespmem:$0x210] =	vst v2;
	v2 =	vshrl.u32 v4, $0x2;
	v4 =	vld [tilespmem:$0x70]  }
0x1a: {  	[tilespmem:$0x220] =	vst v2;
	v2 =	vshrl.u32 v5, $0x2;
	v5 =	vld [tilespmem:$0x80]  }
0x1b: {  	v25 =	vld [tilespmem:$0x90];
	[tilespmem:$0x230] =	vst v2;
	v2 =	vshrl.u32 v6, $0x2  }
0x1c: {  	v26 =	vld [tilespmem:$0xA0];
	[tilespmem:$0x240] =	vst v2;
	v2 =	vshrl.u32 v7, $0x2  }
0x1d: {  	[tilespmem:$0x250] =	vst v2;
	v2 =	vshrl.u32 v3, $0x2;
	v3 =	vld [tilespmem:$0xB0]  }
0x1e: {  	[tilespmem:$0x260] =	vst v2;
	v2 =	vshrl.u32 v4, $0x2;
	v4 =	vld [tilespmem:$0xC0]  }
0x1f: {  	[tilespmem:$0x270] =	vst v2;
	v2 =	vshrl.u32 v5, $0x2;
	v5 =	vld [tilespmem:$0xD0]  }
0x20: {  	v27 =	vld [tilespmem:$0xE0];
	[tilespmem:$0x280] =	vst v2;
	v2 =	vshrl.u32 v25, $0x2  }
0x21: {  	v28 =	vld [tilespmem:$0xF0];
	[tilespmem:$0x290] =	vst v2;
	v2 =	vshrl.u32 v26, $0x2  }
0x22: {  	[tilespmem:$0x2A0] =	vst v2;
	v2 =	vshrl.u32 v3, $0x2;
	v3 =	vld [tilespmem:$0x100]  }
0x23: {  	[tilespmem:$0x2B0] =	vst v2;
	v2 =	vshrl.u32 v4, $0x2;
	v4 =	vld [tilespmem:$0x110]  }
0x24: {  	[tilespmem:$0x2C0] =	vst v2;
	v2 =	vshrl.u32 v5, $0x2;
	v5 =	vld [tilespmem:$0x120]  }
0x25: {  	v29 =	vld [tilespmem:$0x130];
	[tilespmem:$0x2D0] =	vst v2;
	v2 =	vshrl.u32 v27, $0x2  }
0x26: {  	v30 =	vld [tilespmem:$0x140];
	[tilespmem:$0x2E0] =	vst v2;
	v2 =	vshrl.u32 v28, $0x2  }
0x27: {  	[tilespmem:$0x2F0] =	vst v2;
	v2 =	vshrl.u32 v3, $0x2;
	v3 =	vld [tilespmem:$0x150]  }
0x28: {  	[tilespmem:$0x300] =	vst v2;
	v2 =	vshrl.u32 v4, $0x2;
	v4 =	vld [tilespmem:$0x160]  }
0x29: {  	[tilespmem:$0x310] =	vst v2;
	v2 =	vshrl.u32 v5, $0x2;
	v5 =	vld [tilespmem:$0x170]  }
0x2a: {  	v31 =	vld [tilespmem:$0x180];
	[tilespmem:$0x320] =	vst v2;
	v2 =	vshrl.u32 v29, $0x2  }
0x2b: {  	v32 =	vld [tilespmem:$0x190];
	[tilespmem:$0x330] =	vst v2;
	v2 =	vshrl.u32 v30, $0x2  }
0x2c: {  	[tilespmem:$0x340] =	vst v2;
	v2 =	vshrl.u32 v3, $0x2;
	v3 =	vld [tilespmem:$0x1A0]  }
0x2d: {  	[tilespmem:$0x350] =	vst v2;
	v2 =	vshrl.u32 v4, $0x2;
	v4 =	vld [tilespmem:$0x1B0]  }
0x2e: {  	[tilespmem:$0x360] =	vst v2;
	v2 =	vshrl.u32 v5, $0x2;
	v5 =	vld [tilespmem:$0x1C0]  }
0x2f: {  	v33 =	vld [tilespmem:$0x1D0];
	[tilespmem:$0x370] =	vst v2;
	v2 =	vshrl.u32 v31, $0x2  }
0x30: {  	v34 =	vld [tilespmem:$0x1E0];
	[tilespmem:$0x380] =	vst v2;
	v2 =	vshrl.u32 v32, $0x2  }
0x31: {  	[tilespmem:$0x390] =	vst v2;
	v2 =	vshrl.u32 v3, $0x2;
	v3 =	vld [tilespmem:$0x1F0]  }
0x32: {  	[tilespmem:$0x3A0] =	vst v2;
	v2 =	vshrl.u32 v4, $0x2  }
0x33: {  	[tilespmem:$0x3B0] =	vst v2;
	v2 =	vshrl.u32 v5, $0x2  }
0x34: {  	[tilespmem:$0x3C0] =	vst v2;
	v2 =	vshrl.u32 v33, $0x2  }
0x35: {  	[tilespmem:$0x3D0] =	vst v2;
	v2 =	vshrl.u32 v34, $0x2  }
0x36: {  	[tilespmem:$0x3E0] =	vst v2;
	v2 =	vshrl.u32 v3, $0x2  }
0x37: {  	[tilespmem:$0x3F0] =	vst v2  }
0x38: {  	[tilespmem:s10], [sflag:$0x1] =	stream.indirect.gather [hbm4b:s3+s8], $0x80, s9, s8, $0xb8;
	[tilespmem:$0x18400] =	vst v63  }
0x39: {  	_ = 	snop  }
0x3a: {  	[tilespmem:s12], [sflag:$0x1] =	stream.indirect.gather [hbm4b:s3+s8], $0x80, s11, s8, $0xb8;
	[tilespmem:$0x18400] =	vst v63  }
0x3b: {  	_ =	swait.ge [sflag:s13], $0x4000  }
0x3c: {  	[sflag:s13] =	ssyncset.done $0x0  }
0x3d: {  	[sflag:s13] =	ssyncadd.s32 $0xFFFFC000  }
0x3e: {  	_ =	swait.ge [sflag:s13], $0x4000  }
0x3f: {  	[sflag:s13] =	ssyncset.done $0x0  }
0x40: {  	[sflag:s13] =	ssyncadd.s32 $0xFFFFC000  }
0x41: {  	v2 =	vld [tilespmem:s2+$0x0];
	_ =	sdelay $0x3  }
0x42: {  	v3 =	vmov s2  }
0x43: {  	v3 =	vshll.u32 v3, $0x7;
	v2 =	vshll.u32 v2, $0x5  }
0x44: {  	v4 =	vor.u32 v0, v3;
	v2 =	vand.u32 $0x60, v2  }
0x45: {  	v2 =	vor.u32 v4, v2;
	_ =	sdelay $0x4  }
0x46: {  	v3 =	vld.idx.msk [tilespmem:v2+s10+$0x0], $0xffff  }
0x47: {  	v5 =	vor.u32 $0x1, v2;
	_ =	sdelay $0x3  }
0x48: {  	[tilespmem:v4+s14+$0x0] =	vst.idx.msk $0xffff, v3  }
0x49: {  	v3 =	vld.idx.msk [tilespmem:v5+s10+$0x0], $0xffff;
	v5 =	vor.u32 $0x1, v4  }
0x4a: {  	v35 =	vor.u32 $0x2, v2;
	_ =	sdelay $0x3  }
0x4b: {  	[tilespmem:v5+s14+$0x0] =	vst.idx.msk $0xffff, v3  }
0x4c: {  	v5 =	vor.u32 $0x2, v4;
	v3 =	vld.idx.msk [tilespmem:v35+s10+$0x0], $0xffff  }
0x4d: {  	v36 =	vor.u32 $0x3, v2;
	_ =	sdelay $0x3  }
0x4e: {  	[tilespmem:v5+s14+$0x0] =	vst.idx.msk $0xffff, v3  }
0x4f: {  	v5 =	vor.u32 $0x3, v4;
	v3 =	vld.idx.msk [tilespmem:v36+s10+$0x0], $0xffff  }
0x50: {  	v37 =	vor.u32 $0x4, v2;
	_ =	sdelay $0x3  }
0x51: {  	[tilespmem:v5+s14+$0x0] =	vst.idx.msk $0xffff, v3  }
0x52: {  	v5 =	vor.u32 $0x4, v4;
	v3 =	vld.idx.msk [tilespmem:v37+s10+$0x0], $0xffff  }
0x53: {  	v38 =	vor.u32 $0x5, v2;
	_ =	sdelay $0x3  }
0x54: {  	[tilespmem:v5+s14+$0x0] =	vst.idx.msk $0xffff, v3  }
0x55: {  	v5 =	vor.u32 $0x5, v4;
	v3 =	vld.idx.msk [tilespmem:v38+s10+$0x0], $0xffff  }
0x56: {  	v39 =	vor.u32 $0x6, v2;
	_ =	sdelay $0x3  }
0x57: {  	[tilespmem:v5+s14+$0x0] =	vst.idx.msk $0xffff, v3  }
0x58: {  	v5 =	vor.u32 $0x6, v4;
	v3 =	vld.idx.msk [tilespmem:v39+s10+$0x0], $0xffff  }
0x59: {  	v40 =	vor.u32 $0x7, v2;
	_ =	sdelay $0x3  }
0x5a: {  	[tilespmem:v5+s14+$0x0] =	vst.idx.msk $0xffff, v3  }
0x5b: {  	v5 =	vor.u32 $0x7, v4;
	v3 =	vld.idx.msk [tilespmem:v40+s10+$0x0], $0xffff  }
0x5c: {  	v41 =	vor.u32 $0x8, v2;
	_ =	sdelay $0x3  }
0x5d: {  	[tilespmem:v5+s14+$0x0] =	vst.idx.msk $0xffff, v3  }
0x5e: {  	v5 =	vor.u32 $0x8, v4;
	v3 =	vld.idx.msk [tilespmem:v41+s10+$0x0], $0xffff  }
0x5f: {  	v42 =	vor.u32 $0x9, v2;
	_ =	sdelay $0x3  }
0x60: {  	[tilespmem:v5+s14+$0x0] =	vst.idx.msk $0xffff, v3  }
0x61: {  	v5 =	vor.u32 $0x9, v4;
	v3 =	vld.idx.msk [tilespmem:v42+s10+$0x0], $0xffff  }
0x62: {  	v43 =	vor.u32 $0xA, v2;
	_ =	sdelay $0x3  }
0x63: {  	[tilespmem:v5+s14+$0x0] =	vst.idx.msk $0xffff, v3  }
0x64: {  	v5 =	vor.u32 $0xA, v4;
	v3 =	vld.idx.msk [tilespmem:v43+s10+$0x0], $0xffff  }
0x65: {  	v44 =	vor.u32 $0xB, v2;
	_ =	sdelay $0x3  }
0x66: {  	[tilespmem:v5+s14+$0x0] =	vst.idx.msk $0xffff, v3  }
0x67: {  	v5 =	vor.u32 $0xB, v4;
	v3 =	vld.idx.msk [tilespmem:v44+s10+$0x0], $0xffff  }
0x68: {  	v45 =	vor.u32 $0xC, v2;
	_ =	sdelay $0x3  }
0x69: {  	[tilespmem:v5+s14+$0x0] =	vst.idx.msk $0xffff, v3  }
0x6a: {  	v5 =	vor.u32 $0xC, v4;
	v3 =	vld.idx.msk [tilespmem:v45+s10+$0x0], $0xffff  }
0x6b: {  	v46 =	vor.u32 $0xD, v2;
	_ =	sdelay $0x3  }
0x6c: {  	[tilespmem:v5+s14+$0x0] =	vst.idx.msk $0xffff, v3  }
0x6d: {  	v5 =	vor.u32 $0xD, v4;
	v3 =	vld.idx.msk [tilespmem:v46+s10+$0x0], $0xffff  }
0x6e: {  	v47 =	vor.u32 $0xE, v2;
	_ =	sdelay $0x3  }
0x6f: {  	[tilespmem:v5+s14+$0x0] =	vst.idx.msk $0xffff, v3  }
0x70: {  	v5 =	vor.u32 $0xE, v4;
	v3 =	vld.idx.msk [tilespmem:v47+s10+$0x0], $0xffff  }
0x71: {  	v48 =	vor.u32 $0xF, v2;
	_ =	sdelay $0x3  }
0x72: {  	[tilespmem:v5+s14+$0x0] =	vst.idx.msk $0xffff, v3  }
0x73: {  	v5 =	vor.u32 $0xF, v4;
	v3 =	vld.idx.msk [tilespmem:v48+s10+$0x0], $0xffff  }
0x74: {  	v49 =	vor.u32 $0x10, v2;
	_ =	sdelay $0x3  }
0x75: {  	[tilespmem:v5+s14+$0x0] =	vst.idx.msk $0xffff, v3  }
0x76: {  	v5 =	vor.u32 $0x10, v4;
	v3 =	vld.idx.msk [tilespmem:v49+s10+$0x0], $0xffff  }
0x77: {  	v50 =	vor.u32 $0x11, v2;
	_ =	sdelay $0x3  }
0x78: {  	[tilespmem:v5+s14+$0x0] =	vst.idx.msk $0xffff, v3  }
0x79: {  	v5 =	vor.u32 $0x11, v4;
	v3 =	vld.idx.msk [tilespmem:v50+s10+$0x0], $0xffff  }
0x7a: {  	v51 =	vor.u32 $0x12, v2;
	_ =	sdelay $0x3  }
0x7b: {  	[tilespmem:v5+s14+$0x0] =	vst.idx.msk $0xffff, v3  }
0x7c: {  	v5 =	vor.u32 $0x12, v4;
	v3 =	vld.idx.msk [tilespmem:v51+s10+$0x0], $0xffff  }
0x7d: {  	v52 =	vor.u32 $0x13, v2;
	_ =	sdelay $0x3  }
0x7e: {  	[tilespmem:v5+s14+$0x0] =	vst.idx.msk $0xffff, v3  }
0x7f: {  	v5 =	vor.u32 $0x13, v4;
	v3 =	vld.idx.msk [tilespmem:v52+s10+$0x0], $0xffff  }
0x80: {  	v53 =	vor.u32 $0x14, v2;
	_ =	sdelay $0x3  }
0x81: {  	[tilespmem:v5+s14+$0x0] =	vst.idx.msk $0xffff, v3  }
0x82: {  	v5 =	vor.u32 $0x14, v4;
	v3 =	vld.idx.msk [tilespmem:v53+s10+$0x0], $0xffff  }
0x83: {  	v54 =	vor.u32 $0x15, v2;
	_ =	sdelay $0x3  }
0x84: {  	[tilespmem:v5+s14+$0x0] =	vst.idx.msk $0xffff, v3  }
0x85: {  	v5 =	vor.u32 $0x15, v4;
	v3 =	vld.idx.msk [tilespmem:v54+s10+$0x0], $0xffff  }
0x86: {  	v55 =	vor.u32 $0x16, v2;
	_ =	sdelay $0x3  }
0x87: {  	[tilespmem:v5+s14+$0x0] =	vst.idx.msk $0xffff, v3  }
0x88: {  	v5 =	vor.u32 $0x16, v4;
	v3 =	vld.idx.msk [tilespmem:v55+s10+$0x0], $0xffff  }
0x89: {  	v56 =	vor.u32 $0x17, v2;
	_ =	sdelay $0x3  }
0x8a: {  	[tilespmem:v5+s14+$0x0] =	vst.idx.msk $0xffff, v3  }
0x8b: {  	v5 =	vor.u32 $0x17, v4;
	v3 =	vld.idx.msk [tilespmem:v56+s10+$0x0], $0xffff  }
0x8c: {  	v57 =	vor.u32 $0x18, v2;
	_ =	sdelay $0x3  }
0x8d: {  	[tilespmem:v5+s14+$0x0] =	vst.idx.msk $0xffff, v3  }
0x8e: {  	v5 =	vor.u32 $0x18, v4;
	v3 =	vld.idx.msk [tilespmem:v57+s10+$0x0], $0xffff  }
0x8f: {  	v58 =	vor.u32 $0x19, v2;
	_ =	sdelay $0x3  }
0x90: {  	[tilespmem:v5+s14+$0x0] =	vst.idx.msk $0xffff, v3  }
0x91: {  	v5 =	vor.u32 $0x19, v4;
	v3 =	vld.idx.msk [tilespmem:v58+s10+$0x0], $0xffff  }
0x92: {  	v59 =	vor.u32 $0x1A, v2;
	_ =	sdelay $0x3  }
0x93: {  	[tilespmem:v5+s14+$0x0] =	vst.idx.msk $0xffff, v3  }
0x94: {  	v5 =	vor.u32 $0x1A, v4;
	v3 =	vld.idx.msk [tilespmem:v59+s10+$0x0], $0xffff  }
0x95: {  	v60 =	vor.u32 $0x1B, v2;
	_ =	sdelay $0x3  }
0x96: {  	[tilespmem:v5+s14+$0x0] =	vst.idx.msk $0xffff, v3  }
0x97: {  	v5 =	vor.u32 $0x1B, v4;
	v3 =	vld.idx.msk [tilespmem:v60+s10+$0x0], $0xffff  }
0x98: {  	v61 =	vor.u32 $0x1C, v2;
	_ =	sdelay $0x3  }
0x99: {  	[tilespmem:v5+s14+$0x0] =	vst.idx.msk $0xffff, v3  }
0x9a: {  	v5 =	vor.u32 $0x1C, v4;
	v3 =	vld.idx.msk [tilespmem:v61+s10+$0x0], $0xffff  }
0x9b: {  	v62 =	vor.u32 $0x1D, v2;
	_ =	sdelay $0x3  }
0x9c: {  	[tilespmem:v5+s14+$0x0] =	vst.idx.msk $0xffff, v3  }
0x9d: {  	v5 =	vor.u32 $0x1D, v4;
	v3 =	vld.idx.msk [tilespmem:v62+s10+$0x0], $0xffff  }
0x9e: {  	v63 =	vor.u32 $0x1E, v2;
	_ =	sdelay $0x3  }
0x9f: {  	[tilespmem:v5+s14+$0x0] =	vst.idx.msk $0xffff, v3  }
0xa0: {  	v5 =	vor.u32 $0x1E, v4;
	v3 =	vld.idx.msk [tilespmem:v63+s10+$0x0], $0xffff  }
0xa1: {  	v2 =	vor.u32 $0x1F, v2;
	_ =	sdelay $0x3  }
0xa2: {  	[tilespmem:v5+s14+$0x0] =	vst.idx.msk $0xffff, v3  }
0xa3: {  	s18 =	simm.s32 $0x10;
	s19 =	simm.s32 $0x0;
	v3 =	vld.idx.msk [tilespmem:v2+s10+$0x0], $0xffff;
	v2 =	vor.u32 $0x1F, v4  }
.LBB2_2:
0xa4: {  	_ =	sdelay $0x2  }
0xa5: {  	p0 =	sne.s32 s18, $0xF0  }
0xa6: {  	s19 =	sadd.s32 $0x10, s19;
	s20 =	smov.u32 s18;
	s18 =	sadd.s32 $0x10, s18;
	[tilespmem:v2+s14+$0x0] =	vst.idx.msk $0xffff, v3  }
0xa7: {  	v2 =	vld [tilespmem:s19+$0x0];
	_ =	sdelay $0x3  }
0xa8: {  	v3 =	vmov s20  }
0xa9: {  	v3 =	vshll.u32 v3, $0x7;
	v2 =	vshll.u32 v2, $0x5  }
0xaa: {  	v4 =	vand.u32 $0x60, v2;
	v2 =	vor.u32 v0, v3  }
0xab: {  	v3 =	vor.u32 v2, v4;
	_ =	sdelay $0x4  }
0xac: {  	v4 =	vld.idx.msk [tilespmem:v3+s10+$0x0], $0xffff;
	_ =	sdelay $0x1  }
0xad: {  	v5 =	vor.u32 $0x1, v3;
	_ =	sdelay $0x3  }
0xae: {  	[tilespmem:v2+s14+$0x0] =	vst.idx.msk $0xffff, v4  }
0xaf: {  	v4 =	vld.idx.msk [tilespmem:v5+s10+$0x0], $0xffff  }
0xb0: {  	v5 =	vor.u32 $0x1, v2  }
0xb1: {  	v6 =	vor.u32 $0x2, v3;
	_ =	sdelay $0x3  }
0xb2: {  	[tilespmem:v5+s14+$0x0] =	vst.idx.msk $0xffff, v4  }
0xb3: {  	v4 =	vld.idx.msk [tilespmem:v6+s10+$0x0], $0xffff  }
0xb4: {  	v5 =	vor.u32 $0x2, v2  }
0xb5: {  	v6 =	vor.u32 $0x3, v3;
	_ =	sdelay $0x3  }
0xb6: {  	[tilespmem:v5+s14+$0x0] =	vst.idx.msk $0xffff, v4  }
0xb7: {  	v4 =	vld.idx.msk [tilespmem:v6+s10+$0x0], $0xffff  }
0xb8: {  	v5 =	vor.u32 $0x3, v2  }
0xb9: {  	v6 =	vor.u32 $0x4, v3;
	_ =	sdelay $0x3  }
0xba: {  	[tilespmem:v5+s14+$0x0] =	vst.idx.msk $0xffff, v4  }
0xbb: {  	v4 =	vld.idx.msk [tilespmem:v6+s10+$0x0], $0xffff  }
0xbc: {  	v5 =	vor.u32 $0x4, v2  }
0xbd: {  	v6 =	vor.u32 $0x5, v3;
	_ =	sdelay $0x3  }
0xbe: {  	[tilespmem:v5+s14+$0x0] =	vst.idx.msk $0xffff, v4  }
0xbf: {  	v4 =	vld.idx.msk [tilespmem:v6+s10+$0x0], $0xffff  }
0xc0: {  	v5 =	vor.u32 $0x5, v2  }
0xc1: {  	v6 =	vor.u32 $0x6, v3;
	_ =	sdelay $0x3  }
0xc2: {  	[tilespmem:v5+s14+$0x0] =	vst.idx.msk $0xffff, v4  }
0xc3: {  	v4 =	vld.idx.msk [tilespmem:v6+s10+$0x0], $0xffff  }
0xc4: {  	v5 =	vor.u32 $0x6, v2  }
0xc5: {  	v6 =	vor.u32 $0x7, v3;
	_ =	sdelay $0x3  }
0xc6: {  	[tilespmem:v5+s14+$0x0] =	vst.idx.msk $0xffff, v4  }
0xc7: {  	v4 =	vld.idx.msk [tilespmem:v6+s10+$0x0], $0xffff  }
0xc8: {  	v5 =	vor.u32 $0x7, v2  }
0xc9: {  	v6 =	vor.u32 $0x8, v3;
	_ =	sdelay $0x3  }
0xca: {  	[tilespmem:v5+s14+$0x0] =	vst.idx.msk $0xffff, v4  }
0xcb: {  	v4 =	vld.idx.msk [tilespmem:v6+s10+$0x0], $0xffff  }
0xcc: {  	v5 =	vor.u32 $0x8, v2  }
0xcd: {  	v6 =	vor.u32 $0x9, v3;
	_ =	sdelay $0x3  }
0xce: {  	[tilespmem:v5+s14+$0x0] =	vst.idx.msk $0xffff, v4  }
0xcf: {  	v4 =	vld.idx.msk [tilespmem:v6+s10+$0x0], $0xffff  }
0xd0: {  	v5 =	vor.u32 $0x9, v2  }
0xd1: {  	v6 =	vor.u32 $0xA, v3;
	_ =	sdelay $0x3  }
0xd2: {  	[tilespmem:v5+s14+$0x0] =	vst.idx.msk $0xffff, v4  }
0xd3: {  	v4 =	vld.idx.msk [tilespmem:v6+s10+$0x0], $0xffff  }
0xd4: {  	v5 =	vor.u32 $0xA, v2  }
0xd5: {  	v6 =	vor.u32 $0xB, v3;
	_ =	sdelay $0x3  }
0xd6: {  	[tilespmem:v5+s14+$0x0] =	vst.idx.msk $0xffff, v4  }
0xd7: {  	v4 =	vld.idx.msk [tilespmem:v6+s10+$0x0], $0xffff  }
0xd8: {  	v5 =	vor.u32 $0xB, v2  }
0xd9: {  	v6 =	vor.u32 $0xC, v3;
	_ =	sdelay $0x3  }
0xda: {  	[tilespmem:v5+s14+$0x0] =	vst.idx.msk $0xffff, v4  }
0xdb: {  	v4 =	vld.idx.msk [tilespmem:v6+s10+$0x0], $0xffff  }
0xdc: {  	v5 =	vor.u32 $0xC, v2  }
0xdd: {  	v6 =	vor.u32 $0xD, v3;
	_ =	sdelay $0x3  }
0xde: {  	[tilespmem:v5+s14+$0x0] =	vst.idx.msk $0xffff, v4  }
0xdf: {  	v4 =	vld.idx.msk [tilespmem:v6+s10+$0x0], $0xffff  }
0xe0: {  	v5 =	vor.u32 $0xD, v2  }
0xe1: {  	v6 =	vor.u32 $0xE, v3;
	_ =	sdelay $0x3  }
0xe2: {  	[tilespmem:v5+s14+$0x0] =	vst.idx.msk $0xffff, v4  }
0xe3: {  	v4 =	vld.idx.msk [tilespmem:v6+s10+$0x0], $0xffff  }
0xe4: {  	v5 =	vor.u32 $0xE, v2  }
0xe5: {  	v6 =	vor.u32 $0xF, v3;
	_ =	sdelay $0x3  }
0xe6: {  	[tilespmem:v5+s14+$0x0] =	vst.idx.msk $0xffff, v4  }
0xe7: {  	v4 =	vld.idx.msk [tilespmem:v6+s10+$0x0], $0xffff  }
0xe8: {  	v5 =	vor.u32 $0xF, v2  }
0xe9: {  	v6 =	vor.u32 $0x10, v3;
	_ =	sdelay $0x3  }
0xea: {  	[tilespmem:v5+s14+$0x0] =	vst.idx.msk $0xffff, v4  }
0xeb: {  	v4 =	vld.idx.msk [tilespmem:v6+s10+$0x0], $0xffff  }
0xec: {  	v5 =	vor.u32 $0x10, v2  }
0xed: {  	v6 =	vor.u32 $0x11, v3;
	_ =	sdelay $0x3  }
0xee: {  	[tilespmem:v5+s14+$0x0] =	vst.idx.msk $0xffff, v4  }
0xef: {  	v4 =	vld.idx.msk [tilespmem:v6+s10+$0x0], $0xffff  }
0xf0: {  	v5 =	vor.u32 $0x11, v2  }
0xf1: {  	v6 =	vor.u32 $0x12, v3;
	_ =	sdelay $0x3  }
0xf2: {  	[tilespmem:v5+s14+$0x0] =	vst.idx.msk $0xffff, v4  }
0xf3: {  	v4 =	vld.idx.msk [tilespmem:v6+s10+$0x0], $0xffff  }
0xf4: {  	v5 =	vor.u32 $0x12, v2  }
0xf5: {  	v6 =	vor.u32 $0x13, v3;
	_ =	sdelay $0x3  }
0xf6: {  	[tilespmem:v5+s14+$0x0] =	vst.idx.msk $0xffff, v4  }
0xf7: {  	v4 =	vld.idx.msk [tilespmem:v6+s10+$0x0], $0xffff  }
0xf8: {  	v5 =	vor.u32 $0x13, v2  }
0xf9: {  	v6 =	vor.u32 $0x14, v3;
	_ =	sdelay $0x3  }
0xfa: {  	[tilespmem:v5+s14+$0x0] =	vst.idx.msk $0xffff, v4  }
0xfb: {  	v4 =	vld.idx.msk [tilespmem:v6+s10+$0x0], $0xffff  }
0xfc: {  	v5 =	vor.u32 $0x14, v2  }
0xfd: {  	v6 =	vor.u32 $0x15, v3;
	_ =	sdelay $0x3  }
0xfe: {  	[tilespmem:v5+s14+$0x0] =	vst.idx.msk $0xffff, v4  }
0xff: {  	v4 =	vld.idx.msk [tilespmem:v6+s10+$0x0], $0xffff  }
0x100: {  	v5 =	vor.u32 $0x15, v2  }
0x101: {  	v6 =	vor.u32 $0x16, v3;
	_ =	sdelay $0x3  }
0x102: {  	[tilespmem:v5+s14+$0x0] =	vst.idx.msk $0xffff, v4  }
0x103: {  	v4 =	vld.idx.msk [tilespmem:v6+s10+$0x0], $0xffff  }
0x104: {  	v5 =	vor.u32 $0x16, v2  }
0x105: {  	v6 =	vor.u32 $0x17, v3;
	_ =	sdelay $0x3  }
0x106: {  	[tilespmem:v5+s14+$0x0] =	vst.idx.msk $0xffff, v4  }
0x107: {  	v4 =	vld.idx.msk [tilespmem:v6+s10+$0x0], $0xffff  }
0x108: {  	v5 =	vor.u32 $0x17, v2  }
0x109: {  	v6 =	vor.u32 $0x18, v3;
	_ =	sdelay $0x3  }
0x10a: {  	[tilespmem:v5+s14+$0x0] =	vst.idx.msk $0xffff, v4  }
0x10b: {  	v4 =	vld.idx.msk [tilespmem:v6+s10+$0x0], $0xffff  }
0x10c: {  	v5 =	vor.u32 $0x18, v2  }
0x10d: {  	v6 =	vor.u32 $0x19, v3;
	_ =	sdelay $0x3  }
0x10e: {  	[tilespmem:v5+s14+$0x0] =	vst.idx.msk $0xffff, v4  }
0x10f: {  	v4 =	vld.idx.msk [tilespmem:v6+s10+$0x0], $0xffff  }
0x110: {  	v5 =	vor.u32 $0x19, v2  }
0x111: {  	v6 =	vor.u32 $0x1A, v3;
	_ =	sdelay $0x3  }
0x112: {  	[tilespmem:v5+s14+$0x0] =	vst.idx.msk $0xffff, v4  }
0x113: {  	v4 =	vld.idx.msk [tilespmem:v6+s10+$0x0], $0xffff  }
0x114: {  	v5 =	vor.u32 $0x1A, v2  }
0x115: {  	v6 =	vor.u32 $0x1B, v3;
	_ =	sdelay $0x3  }
0x116: {  	[tilespmem:v5+s14+$0x0] =	vst.idx.msk $0xffff, v4  }
0x117: {  	v4 =	vld.idx.msk [tilespmem:v6+s10+$0x0], $0xffff  }
0x118: {  	v5 =	vor.u32 $0x1B, v2  }
0x119: {  	v6 =	vor.u32 $0x1C, v3;
	_ =	sdelay $0x3  }
0x11a: {  	[tilespmem:v5+s14+$0x0] =	vst.idx.msk $0xffff, v4  }
0x11b: {  	v4 =	vld.idx.msk [tilespmem:v6+s10+$0x0], $0xffff  }
0x11c: {  	v5 =	vor.u32 $0x1C, v2  }
0x11d: {  	v6 =	vor.u32 $0x1D, v3;
	_ =	sdelay $0x3  }
0x11e: {  	[tilespmem:v5+s14+$0x0] =	vst.idx.msk $0xffff, v4  }
0x11f: {  	v4 =	vld.idx.msk [tilespmem:v6+s10+$0x0], $0xffff  }
0x120: {  	v5 =	vor.u32 $0x1D, v2  }
0x121: {  	v6 =	vor.u32 $0x1E, v3;
	_ =	sdelay $0x3  }
0x122: {  	[tilespmem:v5+s14+$0x0] =	vst.idx.msk $0xffff, v4  }
0x123: {  	v4 =	vld.idx.msk [tilespmem:v6+s10+$0x0], $0xffff  }
0x124: {  	v5 =	vor.u32 $0x1E, v2  }
0x125: {  	v3 =	vor.u32 $0x1F, v3;
	_ =	sdelay $0x1  }
.Ltmp0:
0x126: {  	(pc) =	sbr.rel @p0 .LBB2_2-.Ltmp0, $4  }
0x127: {  	_ = 	snop  }
0x128: {  	[tilespmem:v5+s14+$0x0] =	vst.idx.msk $0xffff, v4  }
0x129: {  	v3 =	vld.idx.msk [tilespmem:v3+s10+$0x0], $0xffff  }
0x12a: {  	v2 =	vor.u32 $0x1F, v2  }
0x12b: {  	_ =	sdelay $0x3  }
0x12c: {  	[tilespmem:v2+s14+$0x0] =	vst.idx.msk $0xffff, v3  }
0x12d: {  	[tilespmem:s10], [sflag:$0x1] =	stream.indirect.gather [hbm4b:s3+s8], $0x80, s15, s8, $0xb8;
	[tilespmem:$0x18400] =	vst v63  }
0x12e: {  	_ = 	snop  }
0x12f: {  	[tilespmem:s12], [sflag:$0x1] =	stream.indirect.gather [hbm4b:s3+s8], $0x80, s16, s8, $0xb8;
	[tilespmem:$0x18400] =	vst v63  }
0x130: {  	_ =	swait.ge [sflag:s13], $0x4000  }
0x131: {  	[sflag:s13] =	ssyncset.done $0x0  }
0x132: {  	[sflag:s13] =	ssyncadd.s32 $0xFFFFC000  }
0x133: {  	_ =	swait.ge [sflag:s13], $0x4000  }
0x134: {  	s18 =	simm.s32 $0x0;
	[sflag:s13] =	ssyncset.done $0x0  }
0x135: {  	s19 =	sand.u32 $0xF0, s18;
	[sflag:s13] =	ssyncadd.s32 $0xFFFFC000  }
0x136: {  	v2 =	vld [tilespmem:s19+$0x100];
	_ =	sdelay $0x3  }
0x137: {  	v3 =	vmov s18  }
0x138: {  	v3 =	vshll.u32 v3, $0x7;
	v2 =	vshll.u32 v2, $0x5  }
0x139: {  	v4 =	vor.u32 v0, v3;
	v2 =	vand.u32 $0x60, v2  }
0x13a: {  	v2 =	vor.u32 v4, v2;
	_ =	sdelay $0x4  }
0x13b: {  	v5 =	vor.u32 v1, v3;
	v4 =	vld.idx.msk [tilespmem:v2+s10+$0x0], $0xffff  }
0x13c: {  	v3 =	vor.u32 $0x1, v2;
	_ =	sdelay $0x3  }
0x13d: {  	[tilespmem:v5+s14+$0x0] =	vst.idx.msk $0xffff, v4  }
0x13e: {  	v4 =	vor.u32 $0x1, v5;
	v3 =	vld.idx.msk [tilespmem:v3+s10+$0x0], $0xffff  }
0x13f: {  	v6 =	vor.u32 $0x2, v2;
	_ =	sdelay $0x3  }
0x140: {  	[tilespmem:v4+s14+$0x0] =	vst.idx.msk $0xffff, v3  }
0x141: {  	v4 =	vor.u32 $0x2, v5;
	v3 =	vld.idx.msk [tilespmem:v6+s10+$0x0], $0xffff  }
0x142: {  	v36 =	vor.u32 $0x3, v2;
	_ =	sdelay $0x3  }
0x143: {  	[tilespmem:v4+s14+$0x0] =	vst.idx.msk $0xffff, v3  }
0x144: {  	v4 =	vor.u32 $0x3, v5;
	v3 =	vld.idx.msk [tilespmem:v36+s10+$0x0], $0xffff  }
0x145: {  	v37 =	vor.u32 $0x4, v2;
	_ =	sdelay $0x3  }
0x146: {  	[tilespmem:v4+s14+$0x0] =	vst.idx.msk $0xffff, v3  }
0x147: {  	v4 =	vor.u32 $0x4, v5;
	v3 =	vld.idx.msk [tilespmem:v37+s10+$0x0], $0xffff  }
0x148: {  	v38 =	vor.u32 $0x5, v2;
	_ =	sdelay $0x3  }
0x149: {  	[tilespmem:v4+s14+$0x0] =	vst.idx.msk $0xffff, v3  }
0x14a: {  	v4 =	vor.u32 $0x5, v5;
	v3 =	vld.idx.msk [tilespmem:v38+s10+$0x0], $0xffff  }
0x14b: {  	v39 =	vor.u32 $0x6, v2;
	_ =	sdelay $0x3  }
0x14c: {  	[tilespmem:v4+s14+$0x0] =	vst.idx.msk $0xffff, v3  }
0x14d: {  	v4 =	vor.u32 $0x6, v5;
	v3 =	vld.idx.msk [tilespmem:v39+s10+$0x0], $0xffff  }
0x14e: {  	v40 =	vor.u32 $0x7, v2;
	_ =	sdelay $0x3  }
0x14f: {  	[tilespmem:v4+s14+$0x0] =	vst.idx.msk $0xffff, v3  }
0x150: {  	v4 =	vor.u32 $0x7, v5;
	v3 =	vld.idx.msk [tilespmem:v40+s10+$0x0], $0xffff  }
0x151: {  	v41 =	vor.u32 $0x8, v2;
	_ =	sdelay $0x3  }
0x152: {  	[tilespmem:v4+s14+$0x0] =	vst.idx.msk $0xffff, v3  }
0x153: {  	v4 =	vor.u32 $0x8, v5;
	v3 =	vld.idx.msk [tilespmem:v41+s10+$0x0], $0xffff  }
0x154: {  	v42 =	vor.u32 $0x9, v2;
	_ =	sdelay $0x3  }
0x155: {  	[tilespmem:v4+s14+$0x0] =	vst.idx.msk $0xffff, v3  }
0x156: {  	v4 =	vor.u32 $0x9, v5;
	v3 =	vld.idx.msk [tilespmem:v42+s10+$0x0], $0xffff  }
0x157: {  	v43 =	vor.u32 $0xA, v2;
	_ =	sdelay $0x3  }
0x158: {  	[tilespmem:v4+s14+$0x0] =	vst.idx.msk $0xffff, v3  }
0x159: {  	v4 =	vor.u32 $0xA, v5;
	v3 =	vld.idx.msk [tilespmem:v43+s10+$0x0], $0xffff  }
0x15a: {  	v44 =	vor.u32 $0xB, v2;
	_ =	sdelay $0x3  }
0x15b: {  	[tilespmem:v4+s14+$0x0] =	vst.idx.msk $0xffff, v3  }
0x15c: {  	v4 =	vor.u32 $0xB, v5;
	v3 =	vld.idx.msk [tilespmem:v44+s10+$0x0], $0xffff  }
0x15d: {  	v45 =	vor.u32 $0xC, v2;
	_ =	sdelay $0x3  }
0x15e: {  	[tilespmem:v4+s14+$0x0] =	vst.idx.msk $0xffff, v3  }
0x15f: {  	v4 =	vor.u32 $0xC, v5;
	v3 =	vld.idx.msk [tilespmem:v45+s10+$0x0], $0xffff  }
0x160: {  	v46 =	vor.u32 $0xD, v2;
	_ =	sdelay $0x3  }
0x161: {  	[tilespmem:v4+s14+$0x0] =	vst.idx.msk $0xffff, v3  }
0x162: {  	v4 =	vor.u32 $0xD, v5;
	v3 =	vld.idx.msk [tilespmem:v46+s10+$0x0], $0xffff  }
0x163: {  	v47 =	vor.u32 $0xE, v2;
	_ =	sdelay $0x3  }
0x164: {  	[tilespmem:v4+s14+$0x0] =	vst.idx.msk $0xffff, v3  }
0x165: {  	v4 =	vor.u32 $0xE, v5;
	v3 =	vld.idx.msk [tilespmem:v47+s10+$0x0], $0xffff  }
0x166: {  	v48 =	vor.u32 $0xF, v2;
	_ =	sdelay $0x3  }
0x167: {  	[tilespmem:v4+s14+$0x0] =	vst.idx.msk $0xffff, v3  }
0x168: {  	v4 =	vor.u32 $0xF, v5;
	v3 =	vld.idx.msk [tilespmem:v48+s10+$0x0], $0xffff  }
0x169: {  	v49 =	vor.u32 $0x10, v2;
	_ =	sdelay $0x3  }
0x16a: {  	[tilespmem:v4+s14+$0x0] =	vst.idx.msk $0xffff, v3  }
0x16b: {  	v4 =	vor.u32 $0x10, v5;
	v3 =	vld.idx.msk [tilespmem:v49+s10+$0x0], $0xffff  }
0x16c: {  	v50 =	vor.u32 $0x11, v2;
	_ =	sdelay $0x3  }
0x16d: {  	[tilespmem:v4+s14+$0x0] =	vst.idx.msk $0xffff, v3  }
0x16e: {  	v4 =	vor.u32 $0x11, v5;
	v3 =	vld.idx.msk [tilespmem:v50+s10+$0x0], $0xffff  }
0x16f: {  	v51 =	vor.u32 $0x12, v2;
	_ =	sdelay $0x3  }
0x170: {  	[tilespmem:v4+s14+$0x0] =	vst.idx.msk $0xffff, v3  }
0x171: {  	v4 =	vor.u32 $0x12, v5;
	v3 =	vld.idx.msk [tilespmem:v51+s10+$0x0], $0xffff  }
0x172: {  	v52 =	vor.u32 $0x13, v2;
	_ =	sdelay $0x3  }
0x173: {  	[tilespmem:v4+s14+$0x0] =	vst.idx.msk $0xffff, v3  }
0x174: {  	v4 =	vor.u32 $0x13, v5;
	v3 =	vld.idx.msk [tilespmem:v52+s10+$0x0], $0xffff  }
0x175: {  	v53 =	vor.u32 $0x14, v2;
	_ =	sdelay $0x3  }
0x176: {  	[tilespmem:v4+s14+$0x0] =	vst.idx.msk $0xffff, v3  }
0x177: {  	v4 =	vor.u32 $0x14, v5;
	v3 =	vld.idx.msk [tilespmem:v53+s10+$0x0], $0xffff  }
0x178: {  	v54 =	vor.u32 $0x15, v2;
	_ =	sdelay $0x3  }
0x179: {  	[tilespmem:v4+s14+$0x0] =	vst.idx.msk $0xffff, v3  }
0x17a: {  	v4 =	vor.u32 $0x15, v5;
	v3 =	vld.idx.msk [tilespmem:v54+s10+$0x0], $0xffff  }
0x17b: {  	v55 =	vor.u32 $0x16, v2;
	_ =	sdelay $0x3  }
0x17c: {  	[tilespmem:v4+s14+$0x0] =	vst.idx.msk $0xffff, v3  }
0x17d: {  	v4 =	vor.u32 $0x16, v5;
	v3 =	vld.idx.msk [tilespmem:v55+s10+$0x0], $0xffff  }
0x17e: {  	v56 =	vor.u32 $0x17, v2;
	_ =	sdelay $0x3  }
0x17f: {  	[tilespmem:v4+s14+$0x0] =	vst.idx.msk $0xffff, v3  }
0x180: {  	v4 =	vor.u32 $0x17, v5;
	v3 =	vld.idx.msk [tilespmem:v56+s10+$0x0], $0xffff  }
0x181: {  	v57 =	vor.u32 $0x18, v2;
	_ =	sdelay $0x3  }
0x182: {  	[tilespmem:v4+s14+$0x0] =	vst.idx.msk $0xffff, v3  }
0x183: {  	v4 =	vor.u32 $0x18, v5;
	v3 =	vld.idx.msk [tilespmem:v57+s10+$0x0], $0xffff  }
0x184: {  	v58 =	vor.u32 $0x19, v2;
	_ =	sdelay $0x3  }
0x185: {  	[tilespmem:v4+s14+$0x0] =	vst.idx.msk $0xffff, v3  }
0x186: {  	v4 =	vor.u32 $0x19, v5;
	v3 =	vld.idx.msk [tilespmem:v58+s10+$0x0], $0xffff  }
0x187: {  	v59 =	vor.u32 $0x1A, v2;
	_ =	sdelay $0x3  }
0x188: {  	[tilespmem:v4+s14+$0x0] =	vst.idx.msk $0xffff, v3  }
0x189: {  	v4 =	vor.u32 $0x1A, v5;
	v3 =	vld.idx.msk [tilespmem:v59+s10+$0x0], $0xffff  }
0x18a: {  	v60 =	vor.u32 $0x1B, v2;
	_ =	sdelay $0x3  }
0x18b: {  	[tilespmem:v4+s14+$0x0] =	vst.idx.msk $0xffff, v3  }
0x18c: {  	v4 =	vor.u32 $0x1B, v5;
	v3 =	vld.idx.msk [tilespmem:v60+s10+$0x0], $0xffff  }
0x18d: {  	v61 =	vor.u32 $0x1C, v2;
	_ =	sdelay $0x3  }
0x18e: {  	[tilespmem:v4+s14+$0x0] =	vst.idx.msk $0xffff, v3  }
0x18f: {  	v4 =	vor.u32 $0x1C, v5;
	v3 =	vld.idx.msk [tilespmem:v61+s10+$0x0], $0xffff  }
0x190: {  	v62 =	vor.u32 $0x1D, v2;
	_ =	sdelay $0x3  }
0x191: {  	[tilespmem:v4+s14+$0x0] =	vst.idx.msk $0xffff, v3  }
0x192: {  	v4 =	vor.u32 $0x1D, v5;
	v3 =	vld.idx.msk [tilespmem:v62+s10+$0x0], $0xffff  }
0x193: {  	v63 =	vor.u32 $0x1E, v2;
	_ =	sdelay $0x3  }
0x194: {  	[tilespmem:v4+s14+$0x0] =	vst.idx.msk $0xffff, v3  }
0x195: {  	v4 =	vor.u32 $0x1E, v5;
	v3 =	vld.idx.msk [tilespmem:v63+s10+$0x0], $0xffff  }
0x196: {  	v2 =	vor.u32 $0x1F, v2;
	_ =	sdelay $0x3  }
0x197: {  	[tilespmem:v4+s14+$0x0] =	vst.idx.msk $0xffff, v3  }
0x198: {  	s18 =	simm.s32 $0x10;
	s19 =	simm.s32 $0x20;
	v3 =	vld.idx.msk [tilespmem:v2+s10+$0x0], $0xffff;
	v2 =	vor.u32 $0x1F, v5  }
.LBB2_4:
0x199: {  	_ =	sdelay $0x2  }
0x19a: {  	p0 =	sne.s32 s19, $0xF0  }
0x19b: {  	s20 =	sand.u32 $0xF0, s18;
	s21 =	smov.u32 s19;
	s19 =	sadd.s32 $0x10, s19;
	[tilespmem:v2+s14+$0x0] =	vst.idx.msk $0xffff, v3  }
0x19c: {  	v2 =	vld [tilespmem:s20+$0x100];
	_ =	sdelay $0x3  }
0x19d: {  	v3 =	vmov s18;
	s18 =	smov.u32 s21  }
0x19e: {  	v4 =	vshll.u32 v3, $0x7;
	v2 =	vshll.u32 v2, $0x5  }
0x19f: {  	v3 =	vor.u32 v0, v4;
	v2 =	vand.u32 $0x60, v2  }
0x1a0: {  	v3 =	vor.u32 v3, v2;
	_ =	sdelay $0x4  }
0x1a1: {  	v5 =	vld.idx.msk [tilespmem:v3+s10+$0x0], $0xffff  }
0x1a2: {  	v2 =	vor.u32 v1, v4  }
0x1a3: {  	v4 =	vor.u32 $0x1, v3;
	_ =	sdelay $0x3  }
0x1a4: {  	[tilespmem:v2+s14+$0x0] =	vst.idx.msk $0xffff, v5  }
0x1a5: {  	v4 =	vld.idx.msk [tilespmem:v4+s10+$0x0], $0xffff  }
0x1a6: {  	v5 =	vor.u32 $0x1, v2  }
0x1a7: {  	v6 =	vor.u32 $0x2, v3;
	_ =	sdelay $0x3  }
0x1a8: {  	[tilespmem:v5+s14+$0x0] =	vst.idx.msk $0xffff, v4  }
0x1a9: {  	v4 =	vld.idx.msk [tilespmem:v6+s10+$0x0], $0xffff  }
0x1aa: {  	v5 =	vor.u32 $0x2, v2  }
0x1ab: {  	v6 =	vor.u32 $0x3, v3;
	_ =	sdelay $0x3  }
0x1ac: {  	[tilespmem:v5+s14+$0x0] =	vst.idx.msk $0xffff, v4  }
0x1ad: {  	v4 =	vld.idx.msk [tilespmem:v6+s10+$0x0], $0xffff  }
0x1ae: {  	v5 =	vor.u32 $0x3, v2  }
0x1af: {  	v6 =	vor.u32 $0x4, v3;
	_ =	sdelay $0x3  }
0x1b0: {  	[tilespmem:v5+s14+$0x0] =	vst.idx.msk $0xffff, v4  }
0x1b1: {  	v4 =	vld.idx.msk [tilespmem:v6+s10+$0x0], $0xffff  }
0x1b2: {  	v5 =	vor.u32 $0x4, v2  }
0x1b3: {  	v6 =	vor.u32 $0x5, v3;
	_ =	sdelay $0x3  }
0x1b4: {  	[tilespmem:v5+s14+$0x0] =	vst.idx.msk $0xffff, v4  }
0x1b5: {  	v4 =	vld.idx.msk [tilespmem:v6+s10+$0x0], $0xffff  }
0x1b6: {  	v5 =	vor.u32 $0x5, v2  }
0x1b7: {  	v6 =	vor.u32 $0x6, v3;
	_ =	sdelay $0x3  }
0x1b8: {  	[tilespmem:v5+s14+$0x0] =	vst.idx.msk $0xffff, v4  }
0x1b9: {  	v4 =	vld.idx.msk [tilespmem:v6+s10+$0x0], $0xffff  }
0x1ba: {  	v5 =	vor.u32 $0x6, v2  }
0x1bb: {  	v6 =	vor.u32 $0x7, v3;
	_ =	sdelay $0x3  }
0x1bc: {  	[tilespmem:v5+s14+$0x0] =	vst.idx.msk $0xffff, v4  }
0x1bd: {  	v4 =	vld.idx.msk [tilespmem:v6+s10+$0x0], $0xffff  }
0x1be: {  	v5 =	vor.u32 $0x7, v2  }
0x1bf: {  	v6 =	vor.u32 $0x8, v3;
	_ =	sdelay $0x3  }
0x1c0: {  	[tilespmem:v5+s14+$0x0] =	vst.idx.msk $0xffff, v4  }
0x1c1: {  	v4 =	vld.idx.msk [tilespmem:v6+s10+$0x0], $0xffff  }
0x1c2: {  	v5 =	vor.u32 $0x8, v2  }
0x1c3: {  	v6 =	vor.u32 $0x9, v3;
	_ =	sdelay $0x3  }
0x1c4: {  	[tilespmem:v5+s14+$0x0] =	vst.idx.msk $0xffff, v4  }
0x1c5: {  	v4 =	vld.idx.msk [tilespmem:v6+s10+$0x0], $0xffff  }
0x1c6: {  	v5 =	vor.u32 $0x9, v2  }
0x1c7: {  	v6 =	vor.u32 $0xA, v3;
	_ =	sdelay $0x3  }
0x1c8: {  	[tilespmem:v5+s14+$0x0] =	vst.idx.msk $0xffff, v4  }
0x1c9: {  	v4 =	vld.idx.msk [tilespmem:v6+s10+$0x0], $0xffff  }
0x1ca: {  	v5 =	vor.u32 $0xA, v2  }
0x1cb: {  	v6 =	vor.u32 $0xB, v3;
	_ =	sdelay $0x3  }
0x1cc: {  	[tilespmem:v5+s14+$0x0] =	vst.idx.msk $0xffff, v4  }
0x1cd: {  	v4 =	vld.idx.msk [tilespmem:v6+s10+$0x0], $0xffff  }
0x1ce: {  	v5 =	vor.u32 $0xB, v2  }
0x1cf: {  	v6 =	vor.u32 $0xC, v3;
	_ =	sdelay $0x3  }
0x1d0: {  	[tilespmem:v5+s14+$0x0] =	vst.idx.msk $0xffff, v4  }
0x1d1: {  	v4 =	vld.idx.msk [tilespmem:v6+s10+$0x0], $0xffff  }
0x1d2: {  	v5 =	vor.u32 $0xC, v2  }
0x1d3: {  	v6 =	vor.u32 $0xD, v3;
	_ =	sdelay $0x3  }
0x1d4: {  	[tilespmem:v5+s14+$0x0] =	vst.idx.msk $0xffff, v4  }
0x1d5: {  	v4 =	vld.idx.msk [tilespmem:v6+s10+$0x0], $0xffff  }
0x1d6: {  	v5 =	vor.u32 $0xD, v2  }
0x1d7: {  	v6 =	vor.u32 $0xE, v3;
	_ =	sdelay $0x3  }
0x1d8: {  	[tilespmem:v5+s14+$0x0] =	vst.idx.msk $0xffff, v4  }
0x1d9: {  	v4 =	vld.idx.msk [tilespmem:v6+s10+$0x0], $0xffff  }
0x1da: {  	v5 =	vor.u32 $0xE, v2  }
0x1db: {  	v6 =	vor.u32 $0xF, v3;
	_ =	sdelay $0x3  }
0x1dc: {  	[tilespmem:v5+s14+$0x0] =	vst.idx.msk $0xffff, v4  }
0x1dd: {  	v4 =	vld.idx.msk [tilespmem:v6+s10+$0x0], $0xffff  }
0x1de: {  	v5 =	vor.u32 $0xF, v2  }
0x1df: {  	v6 =	vor.u32 $0x10, v3;
	_ =	sdelay $0x3  }
0x1e0: {  	[tilespmem:v5+s14+$0x0] =	vst.idx.msk $0xffff, v4  }
0x1e1: {  	v4 =	vld.idx.msk [tilespmem:v6+s10+$0x0], $0xffff  }
0x1e2: {  	v5 =	vor.u32 $0x10, v2  }
0x1e3: {  	v6 =	vor.u32 $0x11, v3;
	_ =	sdelay $0x3  }
0x1e4: {  	[tilespmem:v5+s14+$0x0] =	vst.idx.msk $0xffff, v4  }
0x1e5: {  	v4 =	vld.idx.msk [tilespmem:v6+s10+$0x0], $0xffff  }
0x1e6: {  	v5 =	vor.u32 $0x11, v2  }
0x1e7: {  	v6 =	vor.u32 $0x12, v3;
	_ =	sdelay $0x3  }
0x1e8: {  	[tilespmem:v5+s14+$0x0] =	vst.idx.msk $0xffff, v4  }
0x1e9: {  	v4 =	vld.idx.msk [tilespmem:v6+s10+$0x0], $0xffff  }
0x1ea: {  	v5 =	vor.u32 $0x12, v2  }
0x1eb: {  	v6 =	vor.u32 $0x13, v3;
	_ =	sdelay $0x3  }
0x1ec: {  	[tilespmem:v5+s14+$0x0] =	vst.idx.msk $0xffff, v4  }
0x1ed: {  	v4 =	vld.idx.msk [tilespmem:v6+s10+$0x0], $0xffff  }
0x1ee: {  	v5 =	vor.u32 $0x13, v2  }
0x1ef: {  	v6 =	vor.u32 $0x14, v3;
	_ =	sdelay $0x3  }
0x1f0: {  	[tilespmem:v5+s14+$0x0] =	vst.idx.msk $0xffff, v4  }
0x1f1: {  	v4 =	vld.idx.msk [tilespmem:v6+s10+$0x0], $0xffff  }
0x1f2: {  	v5 =	vor.u32 $0x14, v2  }
0x1f3: {  	v6 =	vor.u32 $0x15, v3;
	_ =	sdelay $0x3  }
0x1f4: {  	[tilespmem:v5+s14+$0x0] =	vst.idx.msk $0xffff, v4  }
0x1f5: {  	v4 =	vld.idx.msk [tilespmem:v6+s10+$0x0], $0xffff  }
0x1f6: {  	v5 =	vor.u32 $0x15, v2  }
0x1f7: {  	v6 =	vor.u32 $0x16, v3;
	_ =	sdelay $0x3  }
0x1f8: {  	[tilespmem:v5+s14+$0x0] =	vst.idx.msk $0xffff, v4  }
0x1f9: {  	v4 =	vld.idx.msk [tilespmem:v6+s10+$0x0], $0xffff  }
0x1fa: {  	v5 =	vor.u32 $0x16, v2  }
0x1fb: {  	v6 =	vor.u32 $0x17, v3;
	_ =	sdelay $0x3  }
0x1fc: {  	[tilespmem:v5+s14+$0x0] =	vst.idx.msk $0xffff, v4  }
0x1fd: {  	v4 =	vld.idx.msk [tilespmem:v6+s10+$0x0], $0xffff  }
0x1fe: {  	v5 =	vor.u32 $0x17, v2  }
0x1ff: {  	v6 =	vor.u32 $0x18, v3;
	_ =	sdelay $0x3  }
0x200: {  	[tilespmem:v5+s14+$0x0] =	vst.idx.msk $0xffff, v4  }
0x201: {  	v4 =	vld.idx.msk [tilespmem:v6+s10+$0x0], $0xffff  }
0x202: {  	v5 =	vor.u32 $0x18, v2  }
0x203: {  	v6 =	vor.u32 $0x19, v3;
	_ =	sdelay $0x3  }
0x204: {  	[tilespmem:v5+s14+$0x0] =	vst.idx.msk $0xffff, v4  }
0x205: {  	v4 =	vld.idx.msk [tilespmem:v6+s10+$0x0], $0xffff  }
0x206: {  	v5 =	vor.u32 $0x19, v2  }
0x207: {  	v6 =	vor.u32 $0x1A, v3;
	_ =	sdelay $0x3  }
0x208: {  	[tilespmem:v5+s14+$0x0] =	vst.idx.msk $0xffff, v4  }
0x209: {  	v4 =	vld.idx.msk [tilespmem:v6+s10+$0x0], $0xffff  }
0x20a: {  	v5 =	vor.u32 $0x1A, v2  }
0x20b: {  	v6 =	vor.u32 $0x1B, v3;
	_ =	sdelay $0x3  }
0x20c: {  	[tilespmem:v5+s14+$0x0] =	vst.idx.msk $0xffff, v4  }
0x20d: {  	v4 =	vld.idx.msk [tilespmem:v6+s10+$0x0], $0xffff  }
0x20e: {  	v5 =	vor.u32 $0x1B, v2  }
0x20f: {  	v6 =	vor.u32 $0x1C, v3;
	_ =	sdelay $0x3  }
0x210: {  	[tilespmem:v5+s14+$0x0] =	vst.idx.msk $0xffff, v4  }
0x211: {  	v4 =	vld.idx.msk [tilespmem:v6+s10+$0x0], $0xffff  }
0x212: {  	v5 =	vor.u32 $0x1C, v2  }
0x213: {  	v6 =	vor.u32 $0x1D, v3;
	_ =	sdelay $0x3  }
0x214: {  	[tilespmem:v5+s14+$0x0] =	vst.idx.msk $0xffff, v4  }
0x215: {  	v4 =	vld.idx.msk [tilespmem:v6+s10+$0x0], $0xffff  }
0x216: {  	v5 =	vor.u32 $0x1D, v2  }
0x217: {  	v6 =	vor.u32 $0x1E, v3;
	_ =	sdelay $0x3  }
0x218: {  	[tilespmem:v5+s14+$0x0] =	vst.idx.msk $0xffff, v4  }
0x219: {  	v4 =	vld.idx.msk [tilespmem:v6+s10+$0x0], $0xffff  }
0x21a: {  	v5 =	vor.u32 $0x1E, v2  }
0x21b: {  	v3 =	vor.u32 $0x1F, v3;
	_ =	sdelay $0x1  }
.Ltmp1:
0x21c: {  	(pc) =	sbr.rel @p0 .LBB2_4-.Ltmp1, $4  }
0x21d: {  	_ = 	snop  }
0x21e: {  	[tilespmem:v5+s14+$0x0] =	vst.idx.msk $0xffff, v4  }
0x21f: {  	v3 =	vld.idx.msk [tilespmem:v3+s10+$0x0], $0xffff  }
0x220: {  	v2 =	vor.u32 $0x1F, v2  }
0x221: {  	_ =	sdelay $0x3  }
0x222: {  	s19 =	sand.u32 $0xF0, s18;
	[tilespmem:v2+s14+$0x0] =	vst.idx.msk $0xffff, v3  }
0x223: {  	v2 =	vld [tilespmem:s19+$0x100];
	_ =	sdelay $0x3  }
0x224: {  	v3 =	vmov s18  }
0x225: {  	v3 =	vshll.u32 v3, $0x7;
	v2 =	vshll.u32 v2, $0x5  }
0x226: {  	v4 =	vor.u32 v0, v3;
	v2 =	vand.u32 $0x60, v2  }
0x227: {  	v2 =	vor.u32 v4, v2;
	_ =	sdelay $0x4  }
0x228: {  	v3 =	vor.u32 v1, v3;
	v4 =	vld.idx.msk [tilespmem:v2+s10+$0x0], $0xffff  }
0x229: {  	v5 =	vor.u32 $0x1, v2;
	_ =	sdelay $0x3  }
0x22a: {  	[tilespmem:v3+s14+$0x0] =	vst.idx.msk $0xffff, v4  }
0x22b: {  	v61 =	vor.u32 $0x1, v3;
	v4 =	vld.idx.msk [tilespmem:v5+s10+$0x0], $0xffff  }
0x22c: {  	v6 =	vor.u32 $0x2, v2;
	_ =	sdelay $0x3  }
0x22d: {  	[tilespmem:v61+s14+$0x0] =	vst.idx.msk $0xffff, v4  }
0x22e: {  	v62 =	vor.u32 $0x2, v3;
	v4 =	vld.idx.msk [tilespmem:v6+s10+$0x0], $0xffff  }
0x22f: {  	v63 =	vor.u32 $0x3, v2;
	_ =	sdelay $0x3  }
0x230: {  	[tilespmem:v62+s14+$0x0] =	vst.idx.msk $0xffff, v4  }
0x231: {  	v9 =	vor.u32 $0x3, v3;
	v4 =	vld.idx.msk [tilespmem:v63+s10+$0x0], $0xffff  }
0x232: {  	v10 =	vor.u32 $0x4, v2;
	_ =	sdelay $0x3  }
0x233: {  	[tilespmem:v9+s14+$0x0] =	vst.idx.msk $0xffff, v4  }
0x234: {  	v11 =	vor.u32 $0x4, v3;
	v4 =	vld.idx.msk [tilespmem:v10+s10+$0x0], $0xffff  }
0x235: {  	v12 =	vor.u32 $0x5, v2;
	_ =	sdelay $0x3  }
0x236: {  	[tilespmem:v11+s14+$0x0] =	vst.idx.msk $0xffff, v4  }
0x237: {  	v13 =	vor.u32 $0x5, v3;
	v4 =	vld.idx.msk [tilespmem:v12+s10+$0x0], $0xffff  }
0x238: {  	v14 =	vor.u32 $0x6, v2;
	_ =	sdelay $0x3  }
0x239: {  	[tilespmem:v13+s14+$0x0] =	vst.idx.msk $0xffff, v4  }
0x23a: {  	v15 =	vor.u32 $0x6, v3;
	v4 =	vld.idx.msk [tilespmem:v14+s10+$0x0], $0xffff  }
0x23b: {  	v16 =	vor.u32 $0x7, v2;
	_ =	sdelay $0x3  }
0x23c: {  	[tilespmem:v15+s14+$0x0] =	vst.idx.msk $0xffff, v4  }
0x23d: {  	v17 =	vor.u32 $0x7, v3;
	v4 =	vld.idx.msk [tilespmem:v16+s10+$0x0], $0xffff  }
0x23e: {  	v18 =	vor.u32 $0x8, v2;
	_ =	sdelay $0x3  }
0x23f: {  	[tilespmem:v17+s14+$0x0] =	vst.idx.msk $0xffff, v4  }
0x240: {  	v19 =	vor.u32 $0x8, v3;
	v4 =	vld.idx.msk [tilespmem:v18+s10+$0x0], $0xffff  }
0x241: {  	v20 =	vor.u32 $0x9, v2;
	_ =	sdelay $0x3  }
0x242: {  	[tilespmem:v19+s14+$0x0] =	vst.idx.msk $0xffff, v4  }
0x243: {  	v21 =	vor.u32 $0x9, v3;
	v4 =	vld.idx.msk [tilespmem:v20+s10+$0x0], $0xffff  }
0x244: {  	v22 =	vor.u32 $0xA, v2;
	_ =	sdelay $0x3  }
0x245: {  	[tilespmem:v21+s14+$0x0] =	vst.idx.msk $0xffff, v4  }
0x246: {  	v23 =	vor.u32 $0xA, v3;
	v4 =	vld.idx.msk [tilespmem:v22+s10+$0x0], $0xffff  }
0x247: {  	v24 =	vor.u32 $0xB, v2;
	_ =	sdelay $0x3  }
0x248: {  	[tilespmem:v23+s14+$0x0] =	vst.idx.msk $0xffff, v4  }
0x249: {  	v25 =	vor.u32 $0xB, v3;
	v4 =	vld.idx.msk [tilespmem:v24+s10+$0x0], $0xffff  }
0x24a: {  	v26 =	vor.u32 $0xC, v2;
	_ =	sdelay $0x3  }
0x24b: {  	[tilespmem:v25+s14+$0x0] =	vst.idx.msk $0xffff, v4  }
0x24c: {  	v27 =	vor.u32 $0xC, v3;
	v4 =	vld.idx.msk [tilespmem:v26+s10+$0x0], $0xffff  }
0x24d: {  	v28 =	vor.u32 $0xD, v2;
	_ =	sdelay $0x3  }
0x24e: {  	[tilespmem:v27+s14+$0x0] =	vst.idx.msk $0xffff, v4  }
0x24f: {  	v29 =	vor.u32 $0xD, v3;
	v4 =	vld.idx.msk [tilespmem:v28+s10+$0x0], $0xffff  }
0x250: {  	v30 =	vor.u32 $0xE, v2;
	_ =	sdelay $0x3  }
0x251: {  	[tilespmem:v29+s14+$0x0] =	vst.idx.msk $0xffff, v4  }
0x252: {  	v31 =	vor.u32 $0xE, v3;
	v4 =	vld.idx.msk [tilespmem:v30+s10+$0x0], $0xffff  }
0x253: {  	v32 =	vor.u32 $0xF, v2;
	_ =	sdelay $0x3  }
0x254: {  	[tilespmem:v31+s14+$0x0] =	vst.idx.msk $0xffff, v4  }
0x255: {  	v33 =	vor.u32 $0xF, v3;
	v4 =	vld.idx.msk [tilespmem:v32+s10+$0x0], $0xffff  }
0x256: {  	v34 =	vor.u32 $0x10, v2;
	_ =	sdelay $0x3  }
0x257: {  	[tilespmem:v33+s14+$0x0] =	vst.idx.msk $0xffff, v4  }
0x258: {  	v35 =	vor.u32 $0x10, v3;
	v4 =	vld.idx.msk [tilespmem:v34+s10+$0x0], $0xffff  }
0x259: {  	v36 =	vor.u32 $0x11, v2;
	_ =	sdelay $0x3  }
0x25a: {  	[tilespmem:v35+s14+$0x0] =	vst.idx.msk $0xffff, v4  }
0x25b: {  	v37 =	vor.u32 $0x11, v3;
	v4 =	vld.idx.msk [tilespmem:v36+s10+$0x0], $0xffff  }
0x25c: {  	v38 =	vor.u32 $0x12, v2;
	_ =	sdelay $0x3  }
0x25d: {  	[tilespmem:v37+s14+$0x0] =	vst.idx.msk $0xffff, v4  }
0x25e: {  	v39 =	vor.u32 $0x12, v3;
	v4 =	vld.idx.msk [tilespmem:v38+s10+$0x0], $0xffff  }
0x25f: {  	v40 =	vor.u32 $0x13, v2;
	_ =	sdelay $0x3  }
0x260: {  	[tilespmem:v39+s14+$0x0] =	vst.idx.msk $0xffff, v4  }
0x261: {  	v41 =	vor.u32 $0x13, v3;
	v4 =	vld.idx.msk [tilespmem:v40+s10+$0x0], $0xffff  }
0x262: {  	v42 =	vor.u32 $0x14, v2;
	_ =	sdelay $0x3  }
0x263: {  	[tilespmem:v41+s14+$0x0] =	vst.idx.msk $0xffff, v4  }
0x264: {  	v43 =	vor.u32 $0x14, v3;
	v4 =	vld.idx.msk [tilespmem:v42+s10+$0x0], $0xffff  }
0x265: {  	v44 =	vor.u32 $0x15, v2;
	_ =	sdelay $0x3  }
0x266: {  	[tilespmem:v43+s14+$0x0] =	vst.idx.msk $0xffff, v4  }
0x267: {  	v45 =	vor.u32 $0x15, v3;
	v4 =	vld.idx.msk [tilespmem:v44+s10+$0x0], $0xffff  }
0x268: {  	v46 =	vor.u32 $0x16, v2;
	_ =	sdelay $0x3  }
0x269: {  	[tilespmem:v45+s14+$0x0] =	vst.idx.msk $0xffff, v4  }
0x26a: {  	v47 =	vor.u32 $0x16, v3;
	v4 =	vld.idx.msk [tilespmem:v46+s10+$0x0], $0xffff  }
0x26b: {  	v48 =	vor.u32 $0x17, v2;
	_ =	sdelay $0x3  }
0x26c: {  	[tilespmem:v47+s14+$0x0] =	vst.idx.msk $0xffff, v4  }
0x26d: {  	v49 =	vor.u32 $0x17, v3;
	v4 =	vld.idx.msk [tilespmem:v48+s10+$0x0], $0xffff  }
0x26e: {  	v50 =	vor.u32 $0x18, v2;
	_ =	sdelay $0x3  }
0x26f: {  	[tilespmem:v49+s14+$0x0] =	vst.idx.msk $0xffff, v4  }
0x270: {  	v51 =	vor.u32 $0x18, v3;
	v4 =	vld.idx.msk [tilespmem:v50+s10+$0x0], $0xffff  }
0x271: {  	v52 =	vor.u32 $0x19, v2;
	_ =	sdelay $0x3  }
0x272: {  	[tilespmem:v51+s14+$0x0] =	vst.idx.msk $0xffff, v4  }
0x273: {  	v53 =	vor.u32 $0x19, v3;
	v4 =	vld.idx.msk [tilespmem:v52+s10+$0x0], $0xffff  }
0x274: {  	v54 =	vor.u32 $0x1A, v2;
	_ =	sdelay $0x3  }
0x275: {  	[tilespmem:v53+s14+$0x0] =	vst.idx.msk $0xffff, v4  }
0x276: {  	v55 =	vor.u32 $0x1A, v3;
	v4 =	vld.idx.msk [tilespmem:v54+s10+$0x0], $0xffff  }
0x277: {  	v56 =	vor.u32 $0x1B, v2;
	_ =	sdelay $0x3  }
0x278: {  	[tilespmem:v55+s14+$0x0] =	vst.idx.msk $0xffff, v4  }
0x279: {  	v57 =	vor.u32 $0x1B, v3;
	v4 =	vld.idx.msk [tilespmem:v56+s10+$0x0], $0xffff  }
0x27a: {  	v58 =	vor.u32 $0x1C, v2;
	_ =	sdelay $0x3  }
0x27b: {  	[tilespmem:v57+s14+$0x0] =	vst.idx.msk $0xffff, v4  }
0x27c: {  	v59 =	vor.u32 $0x1C, v3;
	v4 =	vld.idx.msk [tilespmem:v58+s10+$0x0], $0xffff  }
0x27d: {  	v60 =	vor.u32 $0x1D, v2;
	_ =	sdelay $0x3  }
0x27e: {  	[tilespmem:v59+s14+$0x0] =	vst.idx.msk $0xffff, v4  }
0x27f: {  	v61 =	vor.u32 $0x1D, v3;
	v4 =	vld.idx.msk [tilespmem:v60+s10+$0x0], $0xffff  }
0x280: {  	v62 =	vor.u32 $0x1E, v2;
	_ =	sdelay $0x3  }
0x281: {  	[tilespmem:v61+s14+$0x0] =	vst.idx.msk $0xffff, v4  }
0x282: {  	v63 =	vor.u32 $0x1E, v3;
	v4 =	vld.idx.msk [tilespmem:v62+s10+$0x0], $0xffff  }
0x283: {  	v2 =	vor.u32 $0x1F, v2;
	_ =	sdelay $0x3  }
0x284: {  	[tilespmem:v63+s14+$0x0] =	vst.idx.msk $0xffff, v4  }
0x285: {  	v3 =	vor.u32 $0x1F, v3;
	v2 =	vld.idx.msk [tilespmem:v2+s10+$0x0], $0xffff;
	_ =	sdelay $0x2  }
0x286: {  	s17 =	sadd.s32 $0x1, s17  }
0x287: {  	p0 =	sne.s32 s17, s6  }
.Ltmp2:
0x288: {  	[tilespmem:v3+s14+$0x0] =	vst.idx.msk $0xffff, v2;
	(pc) =	sbr.rel @p0 .LBB2_1-.Ltmp2, $4  }
0x289: {  	[hbm4b:s5+s2] =	stream.linear.scatter [tilespmem:s14], [sflag:$0x2], $0x10000, $0x38;
	[tilespmem:$0x18400] =	vst v63  }
0x28a: {  	_ =	swait.ge [sflag:s7], $0x10000  }
0x28b: {  	[sflag:s7] =	ssyncset.done $0x0  }
0x28c: {  	[sflag:s7] =	ssyncadd.s32 $0xFFFF0000  }
0x28d: {  	_ =	sfence.sel $0x180000  }
0x28e: {  	[bflag:$0x0] =	sbarrier.arrive $0xFFFF  }
0x28f: {  	p0 =	sne.s32 s1, $0x0;
	_ =	strace $0x90000047  }
0x290: {  	s0 =	sadd.s32 @!p0 $0x100000, s0;
	[bflag:$0x2] =	sbarrier.arrive $0xFFFF  }
0x291: {  	[sflag:s0] =	ssyncadd.tile.s32 @!p0 $0x1;
	_ =	shalt  }
.Lfunc_end2:
_tile_overlayer_lowered:
.L_overlay_start_2:
0x292: {  	(tag) =	ssettag $0x2  }
0x293: {  	s0 =	rddreg [dreg:$0x0];
	s2 =	stileid.u32  }
0x294: {  	s1 =	rddreg [dreg:$0x1];
	p0 =	sne.s32 s2, $0x0  }
0x295: {  	s3 =	rddreg [dreg:$0x2];
	[bflag:$0x3] =	sbarrier.arrive $0xFFFF;
	s2 =	simm.s32 @!p0 $0x1C02  }
0x296: {  	[timem:s3], [sflag:s2] =	dma.local @!p0 [hbm:s0], s1  }
0x297: {  	s0 =	simm.s32 @!p0 $0x2  }
0x298: {  	_ =	swait.ge @!p0 [sflag:s0], s1  }
0x299: {  	s1 =	ssub.s32 @!p0 $0x0, s1;
	[sflag:s0] =	ssyncset.done @!p0 $0x0  }
0x29a: {  	[sflag:s0] =	ssyncadd.s32 @!p0 s1  }
0x29b: {  	[bflag:$0x3] =	sbarrier.arrive $0xFFFF  }
0x29c: {  	_ =	shalt  }

</sc_bundles>
